<compile_context>
chip_gen: v7x
topology: tpu7x:2x2x1
jax: 0.10.2.dev20260603
libtpu: 0.0.44.dev20260713+nightly
codegen_flags: <defaults>
</compile_context>

<pallas_src>
import functools

import jax
import jax.numpy as jnp
from jax import lax
from jax.experimental import pallas as pl
from jax.experimental.pallas import tpu as pltpu
from jax.experimental.pallas import tpu_sc as plsc

B, S, D = 4, 4096, 1024
ROWS = B * S
NW = 32
ROWS_PER_W = ROWS // NW
CH = 32
NCH = ROWS_PER_W // CH
NL = 16


def _body(x_hbm, pe_hbm, pos_hbm, out_hbm, xbuf, pebuf, idx_v, sem):
    c = lax.axis_index("c")
    s = lax.axis_index("s")
    wid = s * 2 + c

    def chunk(i, carry):
        base = wid * ROWS_PER_W + i * CH
        pe_base = lax.rem(base, S)
        pltpu.sync_copy(x_hbm.at[pl.ds(base, CH)], xbuf)
        pltpu.sync_copy(pos_hbm.at[pl.ds(pe_base, CH)], idx_v)
        pltpu.async_copy(pe_hbm.at[idx_v], pebuf, sem).wait()

        def add_row(r, carry2):
            for j in range(D // NL):
                sl = pl.ds(j * NL, NL)
                xbuf[r, sl] = xbuf[r, sl] + pebuf[r, sl]
            return carry2

        lax.fori_loop(0, CH, add_row, 0)
        pltpu.sync_copy(xbuf, out_hbm.at[pl.ds(base, CH)])
        return carry

    lax.fori_loop(0, NCH, chunk, 0)


@jax.jit
def kernel(x, pos_embed):
    x2d = x.reshape(ROWS, D)
    positions = jnp.arange(S, dtype=jnp.int32)
    mesh = plsc.VectorSubcoreMesh(core_axis_name="c", subcore_axis_name="s")
    run = functools.partial(
        pl.kernel,
        mesh=mesh,
        out_type=jax.ShapeDtypeStruct((ROWS, D), jnp.float32),
        scratch_types=[
            pltpu.VMEM((CH, D), jnp.float32),
            pltpu.VMEM((CH, D), jnp.float32),
            pltpu.VMEM((CH,), jnp.int32),
            pltpu.SemaphoreType.DMA,
        ],
    )(_body)
    out2d = run(x2d, pos_embed, positions)
    return out2d.reshape(B, S, D)

# --- scband reference (transcript-rebuilt; emitter-appended) ---
"""Pipeline reference for scband-learned-embedding-28587302322659 (READ-ONLY COPY).

The authoritative reference and input builder live on the scoring server;
editing this copy changes nothing except your own understanding.
"""

import jax, jax.numpy as jnp
import numpy as np

D_MODEL = 1024
MAX_SEQ_LEN = 4096

def setup_inputs(seed: int = 0) -> dict:
    key = jax.random.key(seed)
    k1, k2 = jax.random.split(key)
    x = jax.random.normal(k1, (4, 4096, D_MODEL), dtype=jnp.float32)
    pos_embed = jax.random.normal(k2, (MAX_SEQ_LEN, D_MODEL), dtype=jnp.float32) * 0.02
    return {"x": x, "pos_embed": pos_embed}

def reference(x, pos_embed):
    seq_len = x.shape[1]
    positions = jnp.arange(seq_len)
    pe = jnp.take(pos_embed, positions, axis=0)  # [S, d_model]
    out = x + pe[None, :, :]
    # dropout p=0.0 -> identity
    return out

if __name__ == "__main__":
    import jax
    _d = setup_inputs()
    print(jax.jit(kernel)(*tuple(_d.values())))

</pallas_src>

<mosaic_0001>
#map = affine_map<(d0, d1) -> (0, 0)>
#map1 = affine_map<(d0, d1) -> (0)>
module attributes {stable_mosaic.version = 14 : i64} {
  func.func @_body(%arg0: i32, %arg1: i32, %arg2: memref<16384x1024xf32, #tpu.memory_space<hbm>>, %arg3: memref<4096x1024xf32, #tpu.memory_space<hbm>>, %arg4: memref<4096xi32, #tpu.memory_space<hbm>>, %arg5: memref<16384x1024xf32, #tpu.memory_space<hbm>>, %arg6: memref<32x1024xf32, #tpu.memory_space<vmem>>, %arg7: memref<32x1024xf32, #tpu.memory_space<vmem>>, %arg8: memref<32xi32, #tpu.memory_space<vmem>>, %arg9: memref<!tpu.dma_semaphore, #tpu.memory_space<semaphore_mem>>) attributes {dimension_semantics = [#tpu.dimension_semantics<core_parallel>, #tpu.dimension_semantics<subcore_parallel>], iteration_bounds = array<i64: 2, 16>, scalar_prefetch = 0 : i64, scratch_operands = 4 : i64, tpu.core_type = #tpu.core_type<sc_vector_subcore>, window_params = [{transform_indices = #map}, {transform_indices = #map}, {transform_indices = #map1}, {transform_indices = #map}]} {
    %mul3A = arith.constant 2 : i32
    %mul3A_0 = arith.muli %arg1, %mul3A : i32
    %add3A = arith.addi %mul3A_0, %arg0 : i32
    %scan3A = arith.constant 0 : i32
    %scan3A_1 = arith.constant 0 : i32
    %scan3A_2 = arith.constant 16 : i32
    %scan3A_3 = arith.addi %scan3A_1, %scan3A_2 : i32
    %scan3A_4 = arith.constant 1 : i32
    scf.for %scan3A_6 = %scan3A_1 to %scan3A_3 step %scan3A_4  : i32 {
      %mul3A_7 = arith.constant 512 : i32
      %mul3A_8 = arith.muli %add3A, %mul3A_7 : i32
      %mul3A_9 = arith.constant 32 : i32
      %mul3A_10 = arith.muli %scan3A_6, %mul3A_9 : i32
      %add3A_11 = arith.addi %mul3A_8, %mul3A_10 : i32
      %rem3A = arith.constant 4096 : i32
      %rem3A_12 = arith.remsi %add3A_11, %rem3A : i32
      "tpu.region"() ({
        %run_scoped3A = tpu.sem_alloc : memref<!tpu.dma_semaphore, #tpu.memory_space<semaphore_mem>>
        %dma_start3A_23 = arith.constant 0 : i32
        %dma_start3A_24 = tpu.memref_slice %arg2[%add3A_11, %dma_start3A_23] : memref<16384x1024xf32, #tpu.memory_space<hbm>> -> memref<32x1024xf32, #tpu.memory_space<hbm>>
        %dma_start3A_25 = arith.constant 0 : i32
        %dma_start3A_26 = tpu.memref_slice %arg2[%add3A_11, %dma_start3A_25] : memref<16384x1024xf32, #tpu.memory_space<hbm>> -> memref<32x1024xf32, #tpu.memory_space<hbm>>
        tpu.enqueue_dma source(%dma_start3A_26 : memref<32x1024xf32, #tpu.memory_space<hbm>>) target(%arg6 : memref<32x1024xf32, #tpu.memory_space<vmem>>) target_semaphore(%run_scoped3A : memref<!tpu.dma_semaphore, #tpu.memory_space<semaphore_mem>>)
        %dma_wait3A_27 = arith.constant 0 : i32
        %dma_wait3A_28 = tpu.memref_slice %arg2[%add3A_11, %dma_wait3A_27] : memref<16384x1024xf32, #tpu.memory_space<hbm>> -> memref<32x1024xf32, #tpu.memory_space<hbm>>
        %dma_wait3A_29 = arith.constant 0 : i32
        %dma_wait3A_30 = tpu.memref_slice %arg2[%add3A_11, %dma_wait3A_29] : memref<16384x1024xf32, #tpu.memory_space<hbm>> -> memref<32x1024xf32, #tpu.memory_space<hbm>>
        tpu.wait_dma2 semaphore(%run_scoped3A : memref<!tpu.dma_semaphore, #tpu.memory_space<semaphore_mem>>) src(%dma_wait3A_30 : memref<32x1024xf32, #tpu.memory_space<hbm>>) dst(%arg6 : memref<32x1024xf32, #tpu.memory_space<vmem>>)
        tpu.yield
      }) : () -> ()
      "tpu.region"() ({
        %run_scoped3A = tpu.sem_alloc : memref<!tpu.dma_semaphore, #tpu.memory_space<semaphore_mem>>
        %dma_start3A_23 = tpu.memref_slice %arg4[%rem3A_12] : memref<4096xi32, #tpu.memory_space<hbm>> -> memref<32xi32, #tpu.memory_space<hbm>>
        %dma_start3A_24 = tpu.memref_slice %arg4[%rem3A_12] : memref<4096xi32, #tpu.memory_space<hbm>> -> memref<32xi32, #tpu.memory_space<hbm>>
        tpu.enqueue_dma source(%dma_start3A_24 : memref<32xi32, #tpu.memory_space<hbm>>) target(%arg8 : memref<32xi32, #tpu.memory_space<vmem>>) target_semaphore(%run_scoped3A : memref<!tpu.dma_semaphore, #tpu.memory_space<semaphore_mem>>)
        %dma_wait3A_25 = tpu.memref_slice %arg4[%rem3A_12] : memref<4096xi32, #tpu.memory_space<hbm>> -> memref<32xi32, #tpu.memory_space<hbm>>
        %dma_wait3A_26 = tpu.memref_slice %arg4[%rem3A_12] : memref<4096xi32, #tpu.memory_space<hbm>> -> memref<32xi32, #tpu.memory_space<hbm>>
        tpu.wait_dma2 semaphore(%run_scoped3A : memref<!tpu.dma_semaphore, #tpu.memory_space<semaphore_mem>>) src(%dma_wait3A_26 : memref<32xi32, #tpu.memory_space<hbm>>) dst(%arg8 : memref<32xi32, #tpu.memory_space<vmem>>)
        tpu.yield
      }) : () -> ()
      %dma_start3A = arith.constant 0 : i32
      %dma_start3A_13 = arith.constant 0 : i32
      %dma_start3A_14 = tpu.memref_slice %arg3[%dma_start3A, %dma_start3A_13] : memref<4096x1024xf32, #tpu.memory_space<hbm>> -> memref<4096x1024xf32, #tpu.memory_space<hbm>>
      tpu.enqueue_indirect_dma source(%dma_start3A_14 : memref<4096x1024xf32, #tpu.memory_space<hbm>>) target(%arg7 : memref<32x1024xf32, #tpu.memory_space<vmem>>) offsets(%arg8 : memref<32xi32, #tpu.memory_space<vmem>>) semaphore(%arg9 : memref<!tpu.dma_semaphore, #tpu.memory_space<semaphore_mem>>)
      %dma_wait3A = arith.constant 0 : i32
      %dma_wait3A_15 = arith.constant 0 : i32
      %dma_wait3A_16 = tpu.memref_slice %arg3[%dma_wait3A, %dma_wait3A_15] : memref<4096x1024xf32, #tpu.memory_space<hbm>> -> memref<4096x1024xf32, #tpu.memory_space<hbm>>
      tpu.wait_indirect_dma semaphore(%arg9 : memref<!tpu.dma_semaphore, #tpu.memory_space<semaphore_mem>>) src(%dma_wait3A_16 : memref<4096x1024xf32, #tpu.memory_space<hbm>>) dst(%arg7 : memref<32x1024xf32, #tpu.memory_space<vmem>>)
      %scan3A_17 = arith.constant 0 : i32
      %scan3A_18 = arith.constant 0 : i32
      %scan3A_19 = arith.constant 32 : i32
      %scan3A_20 = arith.addi %scan3A_18, %scan3A_19 : i32
      %scan3A_21 = arith.constant 1 : i32
      scf.for %scan3A_23 = %scan3A_18 to %scan3A_20 step %scan3A_21  : i32 {
        %get3A = arith.index_cast %scan3A_23 : i32 to index
        %get3A_24 = arith.constant 0 : index
        %get3A_25 = tpu.vector_load %arg6[%get3A, %get3A_24] {strides = array<i32>} : memref<32x1024xf32, #tpu.memory_space<vmem>>, vector<1x16xf32>,
        %get3A_26 = vector.shape_cast %get3A_25 : vector<1x16xf32> to vector<16xf32>
        %get3A_27 = arith.index_cast %scan3A_23 : i32 to index
        %get3A_28 = arith.constant 0 : index
        %get3A_29 = tpu.vector_load %arg7[%get3A_27, %get3A_28] {strides = array<i32>} : memref<32x1024xf32, #tpu.memory_space<vmem>>, vector<1x16xf32>,
        %get3A_30 = vector.shape_cast %get3A_29 : vector<1x16xf32> to vector<16xf32>
        %add3A_31 = arith.addf %get3A_26, %get3A_30 : vector<16xf32>
        %swap3A = arith.index_cast %scan3A_23 : i32 to index
        %swap3A_32 = arith.constant 0 : index
        %swap3A_33 = tpu.vector_load %arg6[%swap3A, %swap3A_32] {strides = array<i32>} : memref<32x1024xf32, #tpu.memory_space<vmem>>, vector<1x16xf32>,
        %swap3A_34 = vector.shape_cast %swap3A_33 : vector<1x16xf32> to vector<16xf32>
        %swap3A_35 = vector.shape_cast %add3A_31 : vector<16xf32> to vector<1x16xf32>
        tpu.vector_store %arg6[%swap3A, %swap3A_32], %swap3A_35 {strides = array<i32>} : memref<32x1024xf32, #tpu.memory_space<vmem>>, vector<1x16xf32>,
        %get3A_36 = arith.index_cast %scan3A_23 : i32 to index
        %get3A_37 = arith.constant 16 : index
        %get3A_38 = tpu.vector_load %arg6[%get3A_36, %get3A_37] {strides = array<i32>} : memref<32x1024xf32, #tpu.memory_space<vmem>>, vector<1x16xf32>,
        %get3A_39 = vector.shape_cast %get3A_38 : vector<1x16xf32> to vector<16xf32>
        %get3A_40 = arith.index_cast %scan3A_23 : i32 to index
        %get3A_41 = arith.constant 16 : index
        %get3A_42 = tpu.vector_load %arg7[%get3A_40, %get3A_41] {strides = array<i32>} : memref<32x1024xf32, #tpu.memory_space<vmem>>, vector<1x16xf32>,
        %get3A_43 = vector.shape_cast %get3A_42 : vector<1x16xf32> to vector<16xf32>
        %add3A_44 = arith.addf %get3A_39, %get3A_43 : vector<16xf32>
        %swap3A_45 = arith.index_cast %scan3A_23 : i32 to index
        %swap3A_46 = arith.constant 16 : index
        %swap3A_47 = tpu.vector_load %arg6[%swap3A_45, %swap3A_46] {strides = array<i32>} : memref<32x1024xf32, #tpu.memory_space<vmem>>, vector<1x16xf32>,
        %swap3A_48 = vector.shape_cast %swap3A_47 : vector<1x16xf32> to vector<16xf32>
        %swap3A_49 = vector.shape_cast %add3A_44 : vector<16xf32> to vector<1x16xf32>
        tpu.vector_store %arg6[%swap3A_45, %swap3A_46], %swap3A_49 {strides = array<i32>} : memref<32x1024xf32, #tpu.memory_space<vmem>>, vector<1x16xf32>,
        %get3A_50 = arith.index_cast %scan3A_23 : i32 to index
        %get3A_51 = arith.constant 32 : index
        %get3A_52 = tpu.vector_load %arg6[%get3A_50, %get3A_51] {strides = array<i32>} : memref<32x1024xf32, #tpu.memory_space<vmem>>, vector<1x16xf32>,
        %get3A_53 = vector.shape_cast %get3A_52 : vector<1x16xf32> to vector<16xf32>
        %get3A_54 = arith.index_cast %scan3A_23 : i32 to index
        %get3A_55 = arith.constant 32 : index
        %get3A_56 = tpu.vector_load %arg7[%get3A_54, %get3A_55] {strides = array<i32>} : memref<32x1024xf32, #tpu.memory_space<vmem>>, vector<1x16xf32>,
        %get3A_57 = vector.shape_cast %get3A_56 : vector<1x16xf32> to vector<16xf32>
        %add3A_58 = arith.addf %get3A_53, %get3A_57 : vector<16xf32>
        %swap3A_59 = arith.index_cast %scan3A_23 : i32 to index
        %swap3A_60 = arith.constant 32 : index
        %swap3A_61 = tpu.vector_load %arg6[%swap3A_59, %swap3A_60] {strides = array<i32>} : memref<32x1024xf32, #tpu.memory_space<vmem>>, vector<1x16xf32>,
        %swap3A_62 = vector.shape_cast %swap3A_61 : vector<1x16xf32> to vector<16xf32>
        %swap3A_63 = vector.shape_cast %add3A_58 : vector<16xf32> to vector<1x16xf32>
        tpu.vector_store %arg6[%swap3A_59, %swap3A_60], %swap3A_63 {strides = array<i32>} : memref<32x1024xf32, #tpu.memory_space<vmem>>, vector<1x16xf32>,
        %get3A_64 = arith.index_cast %scan3A_23 : i32 to index
        %get3A_65 = arith.constant 48 : index
        %get3A_66 = tpu.vector_load %arg6[%get3A_64, %get3A_65] {strides = array<i32>} : memref<32x1024xf32, #tpu.memory_space<vmem>>, vector<1x16xf32>,
        %get3A_67 = vector.shape_cast %get3A_66 : vector<1x16xf32> to vector<16xf32>
        %get3A_68 = arith.index_cast %scan3A_23 : i32 to index
        %get3A_69 = arith.constant 48 : index
        %get3A_70 = tpu.vector_load %arg7[%get3A_68, %get3A_69] {strides = array<i32>} : memref<32x1024xf32, #tpu.memory_space<vmem>>, vector<1x16xf32>,
        %get3A_71 = vector.shape_cast %get3A_70 : vector<1x16xf32> to vector<16xf32>
        %add3A_72 = arith.addf %get3A_67, %get3A_71 : vector<16xf32>
        %swap3A_73 = arith.index_cast %scan3A_23 : i32 to index
        %swap3A_74 = arith.constant 48 : index
        %swap3A_75 = tpu.vector_load %arg6[%swap3A_73, %swap3A_74] {strides = array<i32>} : memref<32x1024xf32, #tpu.memory_space<vmem>>, vector<1x16xf32>,
        %swap3A_76 = vector.shape_cast %swap3A_75 : vector<1x16xf32> to vector<16xf32>
        %swap3A_77 = vector.shape_cast %add3A_72 : vector<16xf32> to vector<1x16xf32>
        tpu.vector_store %arg6[%swap3A_73, %swap3A_74], %swap3A_77 {strides = array<i32>} : memref<32x1024xf32, #tpu.memory_space<vmem>>, vector<1x16xf32>,
        %get3A_78 = arith.index_cast %scan3A_23 : i32 to index
        %get3A_79 = arith.constant 64 : index
        %get3A_80 = tpu.vector_load %arg6[%get3A_78, %get3A_79] {strides = array<i32>} : memref<32x1024xf32, #tpu.memory_space<vmem>>, vector<1x16xf32>,
        %get3A_81 = vector.shape_cast %get3A_80 : vector<1x16xf32> to vector<16xf32>
        %get3A_82 = arith.index_cast %scan3A_23 : i32 to index
        %get3A_83 = arith.constant 64 : index
        %get3A_84 = tpu.vector_load %arg7[%get3A_82, %get3A_83] {strides = array<i32>} : memref<32x1024xf32, #tpu.memory_space<vmem>>, vector<1x16xf32>,
        %get3A_85 = vector.shape_cast %get3A_84 : vector<1x16xf32> to vector<16xf32>
        %add3A_86 = arith.addf %get3A_81, %get3A_85 : vector<16xf32>
        %swap3A_87 = arith.index_cast %scan3A_23 : i32 to index
        %swap3A_88 = arith.constant 64 : index
        %swap3A_89 = tpu.vector_load %arg6[%swap3A_87, %swap3A_88] {strides = array<i32>} : memref<32x1024xf32, #tpu.memory_space<vmem>>, vector<1x16xf32>,
        %swap3A_90 = vector.shape_cast %swap3A_89 : vector<1x16xf32> to vector<16xf32>
        %swap3A_91 = vector.shape_cast %add3A_86 : vector<16xf32> to vector<1x16xf32>
        tpu.vector_store %arg6[%swap3A_87, %swap3A_88], %swap3A_91 {strides = array<i32>} : memref<32x1024xf32, #tpu.memory_space<vmem>>, vector<1x16xf32>,
        %get3A_92 = arith.index_cast %scan3A_23 : i32 to index
        %get3A_93 = arith.constant 80 : index
        %get3A_94 = tpu.vector_load %arg6[%get3A_92, %get3A_93] {strides = array<i32>} : memref<32x1024xf32, #tpu.memory_space<vmem>>, vector<1x16xf32>,
        %get3A_95 = vector.shape_cast %get3A_94 : vector<1x16xf32> to vector<16xf32>
        %get3A_96 = arith.index_cast %scan3A_23 : i32 to index
        %get3A_97 = arith.constant 80 : index
        %get3A_98 = tpu.vector_load %arg7[%get3A_96, %get3A_97] {strides = array<i32>} : memref<32x1024xf32, #tpu.memory_space<vmem>>, vector<1x16xf32>,
        %get3A_99 = vector.shape_cast %get3A_98 : vector<1x16xf32> to vector<16xf32>
        %add3A_100 = arith.addf %get3A_95, %get3A_99 : vector<16xf32>
        %swap3A_101 = arith.index_cast %scan3A_23 : i32 to index
        %swap3A_102 = arith.constant 80 : index
        %swap3A_103 = tpu.vector_load %arg6[%swap3A_101, %swap3A_102] {strides = array<i32>} : memref<32x1024xf32, #tpu.memory_space<vmem>>, vector<1x16xf32>,
        %swap3A_104 = vector.shape_cast %swap3A_103 : vector<1x16xf32> to vector<16xf32>
        %swap3A_105 = vector.shape_cast %add3A_100 : vector<16xf32> to vector<1x16xf32>
        tpu.vector_store %arg6[%swap3A_101, %swap3A_102], %swap3A_105 {strides = array<i32>} : memref<32x1024xf32, #tpu.memory_space<vmem>>, vector<1x16xf32>,
        %get3A_106 = arith.index_cast %scan3A_23 : i32 to index
        %get3A_107 = arith.constant 96 : index
        %get3A_108 = tpu.vector_load %arg6[%get3A_106, %get3A_107] {strides = array<i32>} : memref<32x1024xf32, #tpu.memory_space<vmem>>, vector<1x16xf32>,
        %get3A_109 = vector.shape_cast %get3A_108 : vector<1x16xf32> to vector<16xf32>
        %get3A_110 = arith.index_cast %scan3A_23 : i32 to index
        %get3A_111 = arith.constant 96 : index
        %get3A_112 = tpu.vector_load %arg7[%get3A_110, %get3A_111] {strides = array<i32>} : memref<32x1024xf32, #tpu.memory_space<vmem>>, vector<1x16xf32>,
        %get3A_113 = vector.shape_cast %get3A_112 : vector<1x16xf32> to vector<16xf32>
        %add3A_114 = arith.addf %get3A_109, %get3A_113 : vector<16xf32>
        %swap3A_115 = arith.index_cast %scan3A_23 : i32 to index
        %swap3A_116 = arith.constant 96 : index
        %swap3A_117 = tpu.vector_load %arg6[%swap3A_115, %swap3A_116] {strides = array<i32>} : memref<32x1024xf32, #tpu.memory_space<vmem>>, vector<1x16xf32>,
        %swap3A_118 = vector.shape_cast %swap3A_117 : vector<1x16xf32> to vector<16xf32>
        %swap3A_119 = vector.shape_cast %add3A_114 : vector<16xf32> to vector<1x16xf32>
        tpu.vector_store %arg6[%swap3A_115, %swap3A_116], %swap3A_119 {strides = array<i32>} : memref<32x1024xf32, #tpu.memory_space<vmem>>, vector<1x16xf32>,
        %get3A_120 = arith.index_cast %scan3A_23 : i32 to index
        %get3A_121 = arith.constant 112 : index
        %get3A_122 = tpu.vector_load %arg6[%get3A_120, %get3A_121] {strides = array<i32>} : memref<32x1024xf32, #tpu.memory_space<vmem>>, vector<1x16xf32>,
        %get3A_123 = vector.shape_cast %get3A_122 : vector<1x16xf32> to vector<16xf32>
        %get3A_124 = arith.index_cast %scan3A_23 : i32 to index
        %get3A_125 = arith.constant 112 : index
        %get3A_126 = tpu.vector_load %arg7[%get3A_124, %get3A_125] {strides = array<i32>} : memref<32x1024xf32, #tpu.memory_space<vmem>>, vector<1x16xf32>,
        %get3A_127 = vector.shape_cast %get3A_126 : vector<1x16xf32> to vector<16xf32>
        %add3A_128 = arith.addf %get3A_123, %get3A_127 : vector<16xf32>
        %swap3A_129 = arith.index_cast %scan3A_23 : i32 to index
        %swap3A_130 = arith.constant 112 : index
        %swap3A_131 = tpu.vector_load %arg6[%swap3A_129, %swap3A_130] {strides = array<i32>} : memref<32x1024xf32, #tpu.memory_space<vmem>>, vector<1x16xf32>,
        %swap3A_132 = vector.shape_cast %swap3A_131 : vector<1x16xf32> to vector<16xf32>
        %swap3A_133 = vector.shape_cast %add3A_128 : vector<16xf32> to vector<1x16xf32>
        tpu.vector_store %arg6[%swap3A_129, %swap3A_130], %swap3A_133 {strides = array<i32>} : memref<32x1024xf32, #tpu.memory_space<vmem>>, vector<1x16xf32>,
        %get3A_134 = arith.index_cast %scan3A_23 : i32 to index
        %get3A_135 = arith.constant 128 : index
        %get3A_136 = tpu.vector_load %arg6[%get3A_134, %get3A_135] {strides = array<i32>} : memref<32x1024xf32, #tpu.memory_space<vmem>>, vector<1x16xf32>,
        %get3A_137 = vector.shape_cast %get3A_136 : vector<1x16xf32> to vector<16xf32>
        %get3A_138 = arith.index_cast %scan3A_23 : i32 to index
        %get3A_139 = arith.constant 128 : index
        %get3A_140 = tpu.vector_load %arg7[%get3A_138, %get3A_139] {strides = array<i32>} : memref<32x1024xf32, #tpu.memory_space<vmem>>, vector<1x16xf32>,
        %get3A_141 = vector.shape_cast %get3A_140 : vector<1x16xf32> to vector<16xf32>
        %add3A_142 = arith.addf %get3A_137, %get3A_141 : vector<16xf32>
        %swap3A_143 = arith.index_cast %scan3A_23 : i32 to index
        %swap3A_144 = arith.constant 128 : index
        %swap3A_145 = tpu.vector_load %arg6[%swap3A_143, %swap3A_144] {strides = array<i32>} : memref<32x1024xf32, #tpu.memory_space<vmem>>, vector<1x16xf32>,
        %swap3A_146 = vector.shape_cast %swap3A_145 : vector<1x16xf32> to vector<16xf32>
        %swap3A_147 = vector.shape_cast %add3A_142 : vector<16xf32> to vector<1x16xf32>
        tpu.vector_store %arg6[%swap3A_143, %swap3A_144], %swap3A_147 {strides = array<i32>} : memref<32x1024xf32, #tpu.memory_space<vmem>>, vector<1x16xf32>,
        %get3A_148 = arith.index_cast %scan3A_23 : i32 to index
        %get3A_149 = arith.constant 144 : index
        %get3A_150 = tpu.vector_load %arg6[%get3A_148, %get3A_149] {strides = array<i32>} : memref<32x1024xf32, #tpu.memory_space<vmem>>, vector<1x16xf32>,
        %get3A_151 = vector.shape_cast %get3A_150 : vector<1x16xf32> to vector<16xf32>
        %get3A_152 = arith.index_cast %scan3A_23 : i32 to index
        %get3A_153 = arith.constant 144 : index
        %get3A_154 = tpu.vector_load %arg7[%get3A_152, %get3A_153] {strides = array<i32>} : memref<32x1024xf32, #tpu.memory_space<vmem>>, vector<1x16xf32>,
        %get3A_155 = vector.shape_cast %get3A_154 : vector<1x16xf32> to vector<16xf32>
        %add3A_156 = arith.addf %get3A_151, %get3A_155 : vector<16xf32>
        %swap3A_157 = arith.index_cast %scan3A_23 : i32 to index
        %swap3A_158 = arith.constant 144 : index
        %swap3A_159 = tpu.vector_load %arg6[%swap3A_157, %swap3A_158] {strides = array<i32>} : memref<32x1024xf32, #tpu.memory_space<vmem>>, vector<1x16xf32>,
        %swap3A_160 = vector.shape_cast %swap3A_159 : vector<1x16xf32> to vector<16xf32>
        %swap3A_161 = vector.shape_cast %add3A_156 : vector<16xf32> to vector<1x16xf32>
        tpu.vector_store %arg6[%swap3A_157, %swap3A_158], %swap3A_161 {strides = array<i32>} : memref<32x1024xf32, #tpu.memory_space<vmem>>, vector<1x16xf32>,
        %get3A_162 = arith.index_cast %scan3A_23 : i32 to index
        %get3A_163 = arith.constant 160 : index
        %get3A_164 = tpu.vector_load %arg6[%get3A_162, %get3A_163] {strides = array<i32>} : memref<32x1024xf32, #tpu.memory_space<vmem>>, vector<1x16xf32>,
        %get3A_165 = vector.shape_cast %get3A_164 : vector<1x16xf32> to vector<16xf32>
        %get3A_166 = arith.index_cast %scan3A_23 : i32 to index
        %get3A_167 = arith.constant 160 : index
        %get3A_168 = tpu.vector_load %arg7[%get3A_166, %get3A_167] {strides = array<i32>} : memref<32x1024xf32, #tpu.memory_space<vmem>>, vector<1x16xf32>,
        %get3A_169 = vector.shape_cast %get3A_168 : vector<1x16xf32> to vector<16xf32>
        %add3A_170 = arith.addf %get3A_165, %get3A_169 : vector<16xf32>
        %swap3A_171 = arith.index_cast %scan3A_23 : i32 to index
        %swap3A_172 = arith.constant 160 : index
        %swap3A_173 = tpu.vector_load %arg6[%swap3A_171, %swap3A_172] {strides = array<i32>} : memref<32x1024xf32, #tpu.memory_space<vmem>>, vector<1x16xf32>,
        %swap3A_174 = vector.shape_cast %swap3A_173 : vector<1x16xf32> to vector<16xf32>
        %swap3A_175 = vector.shape_cast %add3A_170 : vector<16xf32> to vector<1x16xf32>
        tpu.vector_store %arg6[%swap3A_171, %swap3A_172], %swap3A_175 {strides = array<i32>} : memref<32x1024xf32, #tpu.memory_space<vmem>>, vector<1x16xf32>,
        %get3A_176 = arith.index_cast %scan3A_23 : i32 to index
        %get3A_177 = arith.constant 176 : index
        %get3A_178 = tpu.vector_load %arg6[%get3A_176, %get3A_177] {strides = array<i32>} : memref<32x1024xf32, #tpu.memory_space<vmem>>, vector<1x16xf32>,
        %get3A_179 = vector.shape_cast %get3A_178 : vector<1x16xf32> to vector<16xf32>
        %get3A_180 = arith.index_cast %scan3A_23 : i32 to index
        %get3A_181 = arith.constant 176 : index
        %get3A_182 = tpu.vector_load %arg7[%get3A_180, %get3A_181] {strides = array<i32>} : memref<32x1024xf32, #tpu.memory_space<vmem>>, vector<1x16xf32>,
        %get3A_183 = vector.shape_cast %get3A_182 : vector<1x16xf32> to vector<16xf32>
        %add3A_184 = arith.addf %get3A_179, %get3A_183 : vector<16xf32>
        %swap3A_185 = arith.index_cast %scan3A_23 : i32 to index
        %swap3A_186 = arith.constant 176 : index
        %swap3A_187 = tpu.vector_load %arg6[%swap3A_185, %swap3A_186] {strides = array<i32>} : memref<32x1024xf32, #tpu.memory_space<vmem>>, vector<1x16xf32>,
        %swap3A_188 = vector.shape_cast %swap3A_187 : vector<1x16xf32> to vector<16xf32>
        %swap3A_189 = vector.shape_cast %add3A_184 : vector<16xf32> to vector<1x16xf32>
        tpu.vector_store %arg6[%swap3A_185, %swap3A_186], %swap3A_189 {strides = array<i32>} : memref<32x1024xf32, #tpu.memory_space<vmem>>, vector<1x16xf32>,
        %get3A_190 = arith.index_cast %scan3A_23 : i32 to index
        %get3A_191 = arith.constant 192 : index
        %get3A_192 = tpu.vector_load %arg6[%get3A_190, %get3A_191] {strides = array<i32>} : memref<32x1024xf32, #tpu.memory_space<vmem>>, vector<1x16xf32>,
        %get3A_193 = vector.shape_cast %get3A_192 : vector<1x16xf32> to vector<16xf32>
        %get3A_194 = arith.index_cast %scan3A_23 : i32 to index
        %get3A_195 = arith.constant 192 : index
        %get3A_196 = tpu.vector_load %arg7[%get3A_194, %get3A_195] {strides = array<i32>} : memref<32x1024xf32, #tpu.memory_space<vmem>>, vector<1x16xf32>,
        %get3A_197 = vector.shape_cast %get3A_196 : vector<1x16xf32> to vector<16xf32>
        %add3A_198 = arith.addf %get3A_193, %get3A_197 : vector<16xf32>
        %swap3A_199 = arith.index_cast %scan3A_23 : i32 to index
        %swap3A_200 = arith.constant 192 : index
        %swap3A_201 = tpu.vector_load %arg6[%swap3A_199, %swap3A_200] {strides = array<i32>} : memref<32x1024xf32, #tpu.memory_space<vmem>>, vector<1x16xf32>,
        %swap3A_202 = vector.shape_cast %swap3A_201 : vector<1x16xf32> to vector<16xf32>
        %swap3A_203 = vector.shape_cast %add3A_198 : vector<16xf32> to vector<1x16xf32>
        tpu.vector_store %arg6[%swap3A_199, %swap3A_200], %swap3A_203 {strides = array<i32>} : memref<32x1024xf32, #tpu.memory_space<vmem>>, vector<1x16xf32>,
        %get3A_204 = arith.index_cast %scan3A_23 : i32 to index
        %get3A_205 = arith.constant 208 : index
        %get3A_206 = tpu.vector_load %arg6[%get3A_204, %get3A_205] {strides = array<i32>} : memref<32x1024xf32, #tpu.memory_space<vmem>>, vector<1x16xf32>,
        %get3A_207 = vector.shape_cast %get3A_206 : vector<1x16xf32> to vector<16xf32>
        %get3A_208 = arith.index_cast %scan3A_23 : i32 to index
        %get3A_209 = arith.constant 208 : index
        %get3A_210 = tpu.vector_load %arg7[%get3A_208, %get3A_209] {strides = array<i32>} : memref<32x1024xf32, #tpu.memory_space<vmem>>, vector<1x16xf32>,
        %get3A_211 = vector.shape_cast %get3A_210 : vector<1x16xf32> to vector<16xf32>
        %add3A_212 = arith.addf %get3A_207, %get3A_211 : vector<16xf32>
        %swap3A_213 = arith.index_cast %scan3A_23 : i32 to index
        %swap3A_214 = arith.constant 208 : index
        %swap3A_215 = tpu.vector_load %arg6[%swap3A_213, %swap3A_214] {strides = array<i32>} : memref<32x1024xf32, #tpu.memory_space<vmem>>, vector<1x16xf32>,
        %swap3A_216 = vector.shape_cast %swap3A_215 : vector<1x16xf32> to vector<16xf32>
        %swap3A_217 = vector.shape_cast %add3A_212 : vector<16xf32> to vector<1x16xf32>
        tpu.vector_store %arg6[%swap3A_213, %swap3A_214], %swap3A_217 {strides = array<i32>} : memref<32x1024xf32, #tpu.memory_space<vmem>>, vector<1x16xf32>,
        %get3A_218 = arith.index_cast %scan3A_23 : i32 to index
        %get3A_219 = arith.constant 224 : index
        %get3A_220 = tpu.vector_load %arg6[%get3A_218, %get3A_219] {strides = array<i32>} : memref<32x1024xf32, #tpu.memory_space<vmem>>, vector<1x16xf32>,
        %get3A_221 = vector.shape_cast %get3A_220 : vector<1x16xf32> to vector<16xf32>
        %get3A_222 = arith.index_cast %scan3A_23 : i32 to index
        %get3A_223 = arith.constant 224 : index
        %get3A_224 = tpu.vector_load %arg7[%get3A_222, %get3A_223] {strides = array<i32>} : memref<32x1024xf32, #tpu.memory_space<vmem>>, vector<1x16xf32>,
        %get3A_225 = vector.shape_cast %get3A_224 : vector<1x16xf32> to vector<16xf32>
        %add3A_226 = arith.addf %get3A_221, %get3A_225 : vector<16xf32>
        %swap3A_227 = arith.index_cast %scan3A_23 : i32 to index
        %swap3A_228 = arith.constant 224 : index
        %swap3A_229 = tpu.vector_load %arg6[%swap3A_227, %swap3A_228] {strides = array<i32>} : memref<32x1024xf32, #tpu.memory_space<vmem>>, vector<1x16xf32>,
        %swap3A_230 = vector.shape_cast %swap3A_229 : vector<1x16xf32> to vector<16xf32>
        %swap3A_231 = vector.shape_cast %add3A_226 : vector<16xf32> to vector<1x16xf32>
        tpu.vector_store %arg6[%swap3A_227, %swap3A_228], %swap3A_231 {strides = array<i32>} : memref<32x1024xf32, #tpu.memory_space<vmem>>, vector<1x16xf32>,
        %get3A_232 = arith.index_cast %scan3A_23 : i32 to index
        %get3A_233 = arith.constant 240 : index
        %get3A_234 = tpu.vector_load %arg6[%get3A_232, %get3A_233] {strides = array<i32>} : memref<32x1024xf32, #tpu.memory_space<vmem>>, vector<1x16xf32>,
        %get3A_235 = vector.shape_cast %get3A_234 : vector<1x16xf32> to vector<16xf32>
        %get3A_236 = arith.index_cast %scan3A_23 : i32 to index
        %get3A_237 = arith.constant 240 : index
        %get3A_238 = tpu.vector_load %arg7[%get3A_236, %get3A_237] {strides = array<i32>} : memref<32x1024xf32, #tpu.memory_space<vmem>>, vector<1x16xf32>,
        %get3A_239 = vector.shape_cast %get3A_238 : vector<1x16xf32> to vector<16xf32>
        %add3A_240 = arith.addf %get3A_235, %get3A_239 : vector<16xf32>
        %swap3A_241 = arith.index_cast %scan3A_23 : i32 to index
        %swap3A_242 = arith.constant 240 : index
        %swap3A_243 = tpu.vector_load %arg6[%swap3A_241, %swap3A_242] {strides = array<i32>} : memref<32x1024xf32, #tpu.memory_space<vmem>>, vector<1x16xf32>,
        %swap3A_244 = vector.shape_cast %swap3A_243 : vector<1x16xf32> to vector<16xf32>
        %swap3A_245 = vector.shape_cast %add3A_240 : vector<16xf32> to vector<1x16xf32>
        tpu.vector_store %arg6[%swap3A_241, %swap3A_242], %swap3A_245 {strides = array<i32>} : memref<32x1024xf32, #tpu.memory_space<vmem>>, vector<1x16xf32>,
        %get3A_246 = arith.index_cast %scan3A_23 : i32 to index
        %get3A_247 = arith.constant 256 : index
        %get3A_248 = tpu.vector_load %arg6[%get3A_246, %get3A_247] {strides = array<i32>} : memref<32x1024xf32, #tpu.memory_space<vmem>>, vector<1x16xf32>,
        %get3A_249 = vector.shape_cast %get3A_248 : vector<1x16xf32> to vector<16xf32>
        %get3A_250 = arith.index_cast %scan3A_23 : i32 to index
        %get3A_251 = arith.constant 256 : index
        %get3A_252 = tpu.vector_load %arg7[%get3A_250, %get3A_251] {strides = array<i32>} : memref<32x1024xf32, #tpu.memory_space<vmem>>, vector<1x16xf32>,
        %get3A_253 = vector.shape_cast %get3A_252 : vector<1x16xf32> to vector<16xf32>
        %add3A_254 = arith.addf %get3A_249, %get3A_253 : vector<16xf32>
        %swap3A_255 = arith.index_cast %scan3A_23 : i32 to index
        %swap3A_256 = arith.constant 256 : index
        %swap3A_257 = tpu.vector_load %arg6[%swap3A_255, %swap3A_256] {strides = array<i32>} : memref<32x1024xf32, #tpu.memory_space<vmem>>, vector<1x16xf32>,
        %swap3A_258 = vector.shape_cast %swap3A_257 : vector<1x16xf32> to vector<16xf32>
        %swap3A_259 = vector.shape_cast %add3A_254 : vector<16xf32> to vector<1x16xf32>
        tpu.vector_store %arg6[%swap3A_255, %swap3A_256], %swap3A_259 {strides = array<i32>} : memref<32x1024xf32, #tpu.memory_space<vmem>>, vector<1x16xf32>,
        %get3A_260 = arith.index_cast %scan3A_23 : i32 to index
        %get3A_261 = arith.constant 272 : index
        %get3A_262 = tpu.vector_load %arg6[%get3A_260, %get3A_261] {strides = array<i32>} : memref<32x1024xf32, #tpu.memory_space<vmem>>, vector<1x16xf32>,
        %get3A_263 = vector.shape_cast %get3A_262 : vector<1x16xf32> to vector<16xf32>
        %get3A_264 = arith.index_cast %scan3A_23 : i32 to index
        %get3A_265 = arith.constant 272 : index
        %get3A_266 = tpu.vector_load %arg7[%get3A_264, %get3A_265] {strides = array<i32>} : memref<32x1024xf32, #tpu.memory_space<vmem>>, vector<1x16xf32>,
        %get3A_267 = vector.shape_cast %get3A_266 : vector<1x16xf32> to vector<16xf32>
        %add3A_268 = arith.addf %get3A_263, %get3A_267 : vector<16xf32>
        %swap3A_269 = arith.index_cast %scan3A_23 : i32 to index
        %swap3A_270 = arith.constant 272 : index
        %swap3A_271 = tpu.vector_load %arg6[%swap3A_269, %swap3A_270] {strides = array<i32>} : memref<32x1024xf32, #tpu.memory_space<vmem>>, vector<1x16xf32>,
        %swap3A_272 = vector.shape_cast %swap3A_271 : vector<1x16xf32> to vector<16xf32>
        %swap3A_273 = vector.shape_cast %add3A_268 : vector<16xf32> to vector<1x16xf32>
        tpu.vector_store %arg6[%swap3A_269, %swap3A_270], %swap3A_273 {strides = array<i32>} : memref<32x1024xf32, #tpu.memory_space<vmem>>, vector<1x16xf32>,
        %get3A_274 = arith.index_cast %scan3A_23 : i32 to index
        %get3A_275 = arith.constant 288 : index
        %get3A_276 = tpu.vector_load %arg6[%get3A_274, %get3A_275] {strides = array<i32>} : memref<32x1024xf32, #tpu.memory_space<vmem>>, vector<1x16xf32>,
        %get3A_277 = vector.shape_cast %get3A_276 : vector<1x16xf32> to vector<16xf32>
        %get3A_278 = arith.index_cast %scan3A_23 : i32 to index
        %get3A_279 = arith.constant 288 : index
        %get3A_280 = tpu.vector_load %arg7[%get3A_278, %get3A_279] {strides = array<i32>} : memref<32x1024xf32, #tpu.memory_space<vmem>>, vector<1x16xf32>,
        %get3A_281 = vector.shape_cast %get3A_280 : vector<1x16xf32> to vector<16xf32>
        %add3A_282 = arith.addf %get3A_277, %get3A_281 : vector<16xf32>
        %swap3A_283 = arith.index_cast %scan3A_23 : i32 to index
        %swap3A_284 = arith.constant 288 : index
        %swap3A_285 = tpu.vector_load %arg6[%swap3A_283, %swap3A_284] {strides = array<i32>} : memref<32x1024xf32, #tpu.memory_space<vmem>>, vector<1x16xf32>,
        %swap3A_286 = vector.shape_cast %swap3A_285 : vector<1x16xf32> to vector<16xf32>
        %swap3A_287 = vector.shape_cast %add3A_282 : vector<16xf32> to vector<1x16xf32>
        tpu.vector_store %arg6[%swap3A_283, %swap3A_284], %swap3A_287 {strides = array<i32>} : memref<32x1024xf32, #tpu.memory_space<vmem>>, vector<1x16xf32>,
        %get3A_288 = arith.index_cast %scan3A_23 : i32 to index
        %get3A_289 = arith.constant 304 : index
        %get3A_290 = tpu.vector_load %arg6[%get3A_288, %get3A_289] {strides = array<i32>} : memref<32x1024xf32, #tpu.memory_space<vmem>>, vector<1x16xf32>,
        %get3A_291 = vector.shape_cast %get3A_290 : vector<1x16xf32> to vector<16xf32>
        %get3A_292 = arith.index_cast %scan3A_23 : i32 to index
        %get3A_293 = arith.constant 304 : index
        %get3A_294 = tpu.vector_load %arg7[%get3A_292, %get3A_293] {strides = array<i32>} : memref<32x1024xf32, #tpu.memory_space<vmem>>, vector<1x16xf32>,
        %get3A_295 = vector.shape_cast %get3A_294 : vector<1x16xf32> to vector<16xf32>
        %add3A_296 = arith.addf %get3A_291, %get3A_295 : vector<16xf32>
        %swap3A_297 = arith.index_cast %scan3A_23 : i32 to index
        %swap3A_298 = arith.constant 304 : index
        %swap3A_299 = tpu.vector_load %arg6[%swap3A_297, %swap3A_298] {strides = array<i32>} : memref<32x1024xf32, #tpu.memory_space<vmem>>, vector<1x16xf32>,
        %swap3A_300 = vector.shape_cast %swap3A_299 : vector<1x16xf32> to vector<16xf32>
        %swap3A_301 = vector.shape_cast %add3A_296 : vector<16xf32> to vector<1x16xf32>
        tpu.vector_store %arg6[%swap3A_297, %swap3A_298], %swap3A_301 {strides = array<i32>} : memref<32x1024xf32, #tpu.memory_space<vmem>>, vector<1x16xf32>,
        %get3A_302 = arith.index_cast %scan3A_23 : i32 to index
        %get3A_303 = arith.constant 320 : index
        %get3A_304 = tpu.vector_load %arg6[%get3A_302, %get3A_303] {strides = array<i32>} : memref<32x1024xf32, #tpu.memory_space<vmem>>, vector<1x16xf32>,
        %get3A_305 = vector.shape_cast %get3A_304 : vector<1x16xf32> to vector<16xf32>
        %get3A_306 = arith.index_cast %scan3A_23 : i32 to index
        %get3A_307 = arith.constant 320 : index
        %get3A_308 = tpu.vector_load %arg7[%get3A_306, %get3A_307] {strides = array<i32>} : memref<32x1024xf32, #tpu.memory_space<vmem>>, vector<1x16xf32>,
        %get3A_309 = vector.shape_cast %get3A_308 : vector<1x16xf32> to vector<16xf32>
        %add3A_310 = arith.addf %get3A_305, %get3A_309 : vector<16xf32>
        %swap3A_311 = arith.index_cast %scan3A_23 : i32 to index
        %swap3A_312 = arith.constant 320 : index
        %swap3A_313 = tpu.vector_load %arg6[%swap3A_311, %swap3A_312] {strides = array<i32>} : memref<32x1024xf32, #tpu.memory_space<vmem>>, vector<1x16xf32>,
        %swap3A_314 = vector.shape_cast %swap3A_313 : vector<1x16xf32> to vector<16xf32>
        %swap3A_315 = vector.shape_cast %add3A_310 : vector<16xf32> to vector<1x16xf32>
        tpu.vector_store %arg6[%swap3A_311, %swap3A_312], %swap3A_315 {strides = array<i32>} : memref<32x1024xf32, #tpu.memory_space<vmem>>, vector<1x16xf32>,
        %get3A_316 = arith.index_cast %scan3A_23 : i32 to index
        %get3A_317 = arith.constant 336 : index
        %get3A_318 = tpu.vector_load %arg6[%get3A_316, %get3A_317] {strides = array<i32>} : memref<32x1024xf32, #tpu.memory_space<vmem>>, vector<1x16xf32>,
        %get3A_319 = vector.shape_cast %get3A_318 : vector<1x16xf32> to vector<16xf32>
        %get3A_320 = arith.index_cast %scan3A_23 : i32 to index
        %get3A_321 = arith.constant 336 : index
        %get3A_322 = tpu.vector_load %arg7[%get3A_320, %get3A_321] {strides = array<i32>} : memref<32x1024xf32, #tpu.memory_space<vmem>>, vector<1x16xf32>,
        %get3A_323 = vector.shape_cast %get3A_322 : vector<1x16xf32> to vector<16xf32>
        %add3A_324 = arith.addf %get3A_319, %get3A_323 : vector<16xf32>
        %swap3A_325 = arith.index_cast %scan3A_23 : i32 to index
        %swap3A_326 = arith.constant 336 : index
        %swap3A_327 = tpu.vector_load %arg6[%swap3A_325, %swap3A_326] {strides = array<i32>} : memref<32x1024xf32, #tpu.memory_space<vmem>>, vector<1x16xf32>,
        %swap3A_328 = vector.shape_cast %swap3A_327 : vector<1x16xf32> to vector<16xf32>
        %swap3A_329 = vector.shape_cast %add3A_324 : vector<16xf32> to vector<1x16xf32>
        tpu.vector_store %arg6[%swap3A_325, %swap3A_326], %swap3A_329 {strides = array<i32>} : memref<32x1024xf32, #tpu.memory_space<vmem>>, vector<1x16xf32>,
        %get3A_330 = arith.index_cast %scan3A_23 : i32 to index
        %get3A_331 = arith.constant 352 : index
        %get3A_332 = tpu.vector_load %arg6[%get3A_330, %get3A_331] {strides = array<i32>} : memref<32x1024xf32, #tpu.memory_space<vmem>>, vector<1x16xf32>,
        %get3A_333 = vector.shape_cast %get3A_332 : vector<1x16xf32> to vector<16xf32>
        %get3A_334 = arith.index_cast %scan3A_23 : i32 to index
        %get3A_335 = arith.constant 352 : index
        %get3A_336 = tpu.vector_load %arg7[%get3A_334, %get3A_335] {strides = array<i32>} : memref<32x1024xf32, #tpu.memory_space<vmem>>, vector<1x16xf32>,
        %get3A_337 = vector.shape_cast %get3A_336 : vector<1x16xf32> to vector<16xf32>
        %add3A_338 = arith.addf %get3A_333, %get3A_337 : vector<16xf32>
        %swap3A_339 = arith.index_cast %scan3A_23 : i32 to index
        %swap3A_340 = arith.constant 352 : index
        %swap3A_341 = tpu.vector_load %arg6[%swap3A_339, %swap3A_340] {strides = array<i32>} : memref<32x1024xf32, #tpu.memory_space<vmem>>, vector<1x16xf32>,
        %swap3A_342 = vector.shape_cast %swap3A_341 : vector<1x16xf32> to vector<16xf32>
        %swap3A_343 = vector.shape_cast %add3A_338 : vector<16xf32> to vector<1x16xf32>
        tpu.vector_store %arg6[%swap3A_339, %swap3A_340], %swap3A_343 {strides = array<i32>} : memref<32x1024xf32, #tpu.memory_space<vmem>>, vector<1x16xf32>,
        %get3A_344 = arith.index_cast %scan3A_23 : i32 to index
        %get3A_345 = arith.constant 368 : index
        %get3A_346 = tpu.vector_load %arg6[%get3A_344, %get3A_345] {strides = array<i32>} : memref<32x1024xf32, #tpu.memory_space<vmem>>, vector<1x16xf32>,
        %get3A_347 = vector.shape_cast %get3A_346 : vector<1x16xf32> to vector<16xf32>
        %get3A_348 = arith.index_cast %scan3A_23 : i32 to index
        %get3A_349 = arith.constant 368 : index
        %get3A_350 = tpu.vector_load %arg7[%get3A_348, %get3A_349] {strides = array<i32>} : memref<32x1024xf32, #tpu.memory_space<vmem>>, vector<1x16xf32>,
        %get3A_351 = vector.shape_cast %get3A_350 : vector<1x16xf32> to vector<16xf32>
        %add3A_352 = arith.addf %get3A_347, %get3A_351 : vector<16xf32>
        %swap3A_353 = arith.index_cast %scan3A_23 : i32 to index
        %swap3A_354 = arith.constant 368 : index
        %swap3A_355 = tpu.vector_load %arg6[%swap3A_353, %swap3A_354] {strides = array<i32>} : memref<32x1024xf32, #tpu.memory_space<vmem>>, vector<1x16xf32>,
        %swap3A_356 = vector.shape_cast %swap3A_355 : vector<1x16xf32> to vector<16xf32>
        %swap3A_357 = vector.shape_cast %add3A_352 : vector<16xf32> to vector<1x16xf32>
        tpu.vector_store %arg6[%swap3A_353, %swap3A_354], %swap3A_357 {strides = array<i32>} : memref<32x1024xf32, #tpu.memory_space<vmem>>, vector<1x16xf32>,
        %get3A_358 = arith.index_cast %scan3A_23 : i32 to index
        %get3A_359 = arith.constant 384 : index
        %get3A_360 = tpu.vector_load %arg6[%get3A_358, %get3A_359] {strides = array<i32>} : memref<32x1024xf32, #tpu.memory_space<vmem>>, vector<1x16xf32>,
        %get3A_361 = vector.shape_cast %get3A_360 : vector<1x16xf32> to vector<16xf32>
        %get3A_362 = arith.index_cast %scan3A_23 : i32 to index
        %get3A_363 = arith.constant 384 : index
        %get3A_364 = tpu.vector_load %arg7[%get3A_362, %get3A_363] {strides = array<i32>} : memref<32x1024xf32, #tpu.memory_space<vmem>>, vector<1x16xf32>,
        %get3A_365 = vector.shape_cast %get3A_364 : vector<1x16xf32> to vector<16xf32>
        %add3A_366 = arith.addf %get3A_361, %get3A_365 : vector<16xf32>
        %swap3A_367 = arith.index_cast %scan3A_23 : i32 to index
        %swap3A_368 = arith.constant 384 : index
        %swap3A_369 = tpu.vector_load %arg6[%swap3A_367, %swap3A_368] {strides = array<i32>} : memref<32x1024xf32, #tpu.memory_space<vmem>>, vector<1x16xf32>,
        %swap3A_370 = vector.shape_cast %swap3A_369 : vector<1x16xf32> to vector<16xf32>
        %swap3A_371 = vector.shape_cast %add3A_366 : vector<16xf32> to vector<1x16xf32>
        tpu.vector_store %arg6[%swap3A_367, %swap3A_368], %swap3A_371 {strides = array<i32>} : memref<32x1024xf32, #tpu.memory_space<vmem>>, vector<1x16xf32>,
        %get3A_372 = arith.index_cast %scan3A_23 : i32 to index
        %get3A_373 = arith.constant 400 : index
        %get3A_374 = tpu.vector_load %arg6[%get3A_372, %get3A_373] {strides = array<i32>} : memref<32x1024xf32, #tpu.memory_space<vmem>>, vector<1x16xf32>,
        %get3A_375 = vector.shape_cast %get3A_374 : vector<1x16xf32> to vector<16xf32>
        %get3A_376 = arith.index_cast %scan3A_23 : i32 to index
        %get3A_377 = arith.constant 400 : index
        %get3A_378 = tpu.vector_load %arg7[%get3A_376, %get3A_377] {strides = array<i32>} : memref<32x1024xf32, #tpu.memory_space<vmem>>, vector<1x16xf32>,
        %get3A_379 = vector.shape_cast %get3A_378 : vector<1x16xf32> to vector<16xf32>
        %add3A_380 = arith.addf %get3A_375, %get3A_379 : vector<16xf32>
        %swap3A_381 = arith.index_cast %scan3A_23 : i32 to index
        %swap3A_382 = arith.constant 400 : index
        %swap3A_383 = tpu.vector_load %arg6[%swap3A_381, %swap3A_382] {strides = array<i32>} : memref<32x1024xf32, #tpu.memory_space<vmem>>, vector<1x16xf32>,
        %swap3A_384 = vector.shape_cast %swap3A_383 : vector<1x16xf32> to vector<16xf32>
        %swap3A_385 = vector.shape_cast %add3A_380 : vector<16xf32> to vector<1x16xf32>
        tpu.vector_store %arg6[%swap3A_381, %swap3A_382], %swap3A_385 {strides = array<i32>} : memref<32x1024xf32, #tpu.memory_space<vmem>>, vector<1x16xf32>,
        %get3A_386 = arith.index_cast %scan3A_23 : i32 to index
        %get3A_387 = arith.constant 416 : index
        %get3A_388 = tpu.vector_load %arg6[%get3A_386, %get3A_387] {strides = array<i32>} : memref<32x1024xf32, #tpu.memory_space<vmem>>, vector<1x16xf32>,
        %get3A_389 = vector.shape_cast %get3A_388 : vector<1x16xf32> to vector<16xf32>
        %get3A_390 = arith.index_cast %scan3A_23 : i32 to index
        %get3A_391 = arith.constant 416 : index
        %get3A_392 = tpu.vector_load %arg7[%get3A_390, %get3A_391] {strides = array<i32>} : memref<32x1024xf32, #tpu.memory_space<vmem>>, vector<1x16xf32>,
        %get3A_393 = vector.shape_cast %get3A_392 : vector<1x16xf32> to vector<16xf32>
        %add3A_394 = arith.addf %get3A_389, %get3A_393 : vector<16xf32>
        %swap3A_395 = arith.index_cast %scan3A_23 : i32 to index
        %swap3A_396 = arith.constant 416 : index
        %swap3A_397 = tpu.vector_load %arg6[%swap3A_395, %swap3A_396] {strides = array<i32>} : memref<32x1024xf32, #tpu.memory_space<vmem>>, vector<1x16xf32>,
        %swap3A_398 = vector.shape_cast %swap3A_397 : vector<1x16xf32> to vector<16xf32>
        %swap3A_399 = vector.shape_cast %add3A_394 : vector<16xf32> to vector<1x16xf32>
        tpu.vector_store %arg6[%swap3A_395, %swap3A_396], %swap3A_399 {strides = array<i32>} : memref<32x1024xf32, #tpu.memory_space<vmem>>, vector<1x16xf32>,
        %get3A_400 = arith.index_cast %scan3A_23 : i32 to index
        %get3A_401 = arith.constant 432 : index
        %get3A_402 = tpu.vector_load %arg6[%get3A_400, %get3A_401] {strides = array<i32>} : memref<32x1024xf32, #tpu.memory_space<vmem>>, vector<1x16xf32>,
        %get3A_403 = vector.shape_cast %get3A_402 : vector<1x16xf32> to vector<16xf32>
        %get3A_404 = arith.index_cast %scan3A_23 : i32 to index
        %get3A_405 = arith.constant 432 : index
        %get3A_406 = tpu.vector_load %arg7[%get3A_404, %get3A_405] {strides = array<i32>} : memref<32x1024xf32, #tpu.memory_space<vmem>>, vector<1x16xf32>,
        %get3A_407 = vector.shape_cast %get3A_406 : vector<1x16xf32> to vector<16xf32>
        %add3A_408 = arith.addf %get3A_403, %get3A_407 : vector<16xf32>
        %swap3A_409 = arith.index_cast %scan3A_23 : i32 to index
        %swap3A_410 = arith.constant 432 : index
        %swap3A_411 = tpu.vector_load %arg6[%swap3A_409, %swap3A_410] {strides = array<i32>} : memref<32x1024xf32, #tpu.memory_space<vmem>>, vector<1x16xf32>,
        %swap3A_412 = vector.shape_cast %swap3A_411 : vector<1x16xf32> to vector<16xf32>
        %swap3A_413 = vector.shape_cast %add3A_408 : vector<16xf32> to vector<1x16xf32>
        tpu.vector_store %arg6[%swap3A_409, %swap3A_410], %swap3A_413 {strides = array<i32>} : memref<32x1024xf32, #tpu.memory_space<vmem>>, vector<1x16xf32>,
        %get3A_414 = arith.index_cast %scan3A_23 : i32 to index
        %get3A_415 = arith.constant 448 : index
        %get3A_416 = tpu.vector_load %arg6[%get3A_414, %get3A_415] {strides = array<i32>} : memref<32x1024xf32, #tpu.memory_space<vmem>>, vector<1x16xf32>,
        %get3A_417 = vector.shape_cast %get3A_416 : vector<1x16xf32> to vector<16xf32>
        %get3A_418 = arith.index_cast %scan3A_23 : i32 to index
        %get3A_419 = arith.constant 448 : index
        %get3A_420 = tpu.vector_load %arg7[%get3A_418, %get3A_419] {strides = array<i32>} : memref<32x1024xf32, #tpu.memory_space<vmem>>, vector<1x16xf32>,
        %get3A_421 = vector.shape_cast %get3A_420 : vector<1x16xf32> to vector<16xf32>
        %add3A_422 = arith.addf %get3A_417, %get3A_421 : vector<16xf32>
        %swap3A_423 = arith.index_cast %scan3A_23 : i32 to index
        %swap3A_424 = arith.constant 448 : index
        %swap3A_425 = tpu.vector_load %arg6[%swap3A_423, %swap3A_424] {strides = array<i32>} : memref<32x1024xf32, #tpu.memory_space<vmem>>, vector<1x16xf32>,
        %swap3A_426 = vector.shape_cast %swap3A_425 : vector<1x16xf32> to vector<16xf32>
        %swap3A_427 = vector.shape_cast %add3A_422 : vector<16xf32> to vector<1x16xf32>
        tpu.vector_store %arg6[%swap3A_423, %swap3A_424], %swap3A_427 {strides = array<i32>} : memref<32x1024xf32, #tpu.memory_space<vmem>>, vector<1x16xf32>,
        %get3A_428 = arith.index_cast %scan3A_23 : i32 to index
        %get3A_429 = arith.constant 464 : index
        %get3A_430 = tpu.vector_load %arg6[%get3A_428, %get3A_429] {strides = array<i32>} : memref<32x1024xf32, #tpu.memory_space<vmem>>, vector<1x16xf32>,
        %get3A_431 = vector.shape_cast %get3A_430 : vector<1x16xf32> to vector<16xf32>
        %get3A_432 = arith.index_cast %scan3A_23 : i32 to index
        %get3A_433 = arith.constant 464 : index
        %get3A_434 = tpu.vector_load %arg7[%get3A_432, %get3A_433] {strides = array<i32>} : memref<32x1024xf32, #tpu.memory_space<vmem>>, vector<1x16xf32>,
        %get3A_435 = vector.shape_cast %get3A_434 : vector<1x16xf32> to vector<16xf32>
        %add3A_436 = arith.addf %get3A_431, %get3A_435 : vector<16xf32>
        %swap3A_437 = arith.index_cast %scan3A_23 : i32 to index
        %swap3A_438 = arith.constant 464 : index
        %swap3A_439 = tpu.vector_load %arg6[%swap3A_437, %swap3A_438] {strides = array<i32>} : memref<32x1024xf32, #tpu.memory_space<vmem>>, vector<1x16xf32>,
        %swap3A_440 = vector.shape_cast %swap3A_439 : vector<1x16xf32> to vector<16xf32>
        %swap3A_441 = vector.shape_cast %add3A_436 : vector<16xf32> to vector<1x16xf32>
        tpu.vector_store %arg6[%swap3A_437, %swap3A_438], %swap3A_441 {strides = array<i32>} : memref<32x1024xf32, #tpu.memory_space<vmem>>, vector<1x16xf32>,
        %get3A_442 = arith.index_cast %scan3A_23 : i32 to index
        %get3A_443 = arith.constant 480 : index
        %get3A_444 = tpu.vector_load %arg6[%get3A_442, %get3A_443] {strides = array<i32>} : memref<32x1024xf32, #tpu.memory_space<vmem>>, vector<1x16xf32>,
        %get3A_445 = vector.shape_cast %get3A_444 : vector<1x16xf32> to vector<16xf32>
        %get3A_446 = arith.index_cast %scan3A_23 : i32 to index
        %get3A_447 = arith.constant 480 : index
        %get3A_448 = tpu.vector_load %arg7[%get3A_446, %get3A_447] {strides = array<i32>} : memref<32x1024xf32, #tpu.memory_space<vmem>>, vector<1x16xf32>,
        %get3A_449 = vector.shape_cast %get3A_448 : vector<1x16xf32> to vector<16xf32>
        %add3A_450 = arith.addf %get3A_445, %get3A_449 : vector<16xf32>
        %swap3A_451 = arith.index_cast %scan3A_23 : i32 to index
        %swap3A_452 = arith.constant 480 : index
        %swap3A_453 = tpu.vector_load %arg6[%swap3A_451, %swap3A_452] {strides = array<i32>} : memref<32x1024xf32, #tpu.memory_space<vmem>>, vector<1x16xf32>,
        %swap3A_454 = vector.shape_cast %swap3A_453 : vector<1x16xf32> to vector<16xf32>
        %swap3A_455 = vector.shape_cast %add3A_450 : vector<16xf32> to vector<1x16xf32>
        tpu.vector_store %arg6[%swap3A_451, %swap3A_452], %swap3A_455 {strides = array<i32>} : memref<32x1024xf32, #tpu.memory_space<vmem>>, vector<1x16xf32>,
        %get3A_456 = arith.index_cast %scan3A_23 : i32 to index
        %get3A_457 = arith.constant 496 : index
        %get3A_458 = tpu.vector_load %arg6[%get3A_456, %get3A_457] {strides = array<i32>} : memref<32x1024xf32, #tpu.memory_space<vmem>>, vector<1x16xf32>,
        %get3A_459 = vector.shape_cast %get3A_458 : vector<1x16xf32> to vector<16xf32>
        %get3A_460 = arith.index_cast %scan3A_23 : i32 to index
        %get3A_461 = arith.constant 496 : index
        %get3A_462 = tpu.vector_load %arg7[%get3A_460, %get3A_461] {strides = array<i32>} : memref<32x1024xf32, #tpu.memory_space<vmem>>, vector<1x16xf32>,
        %get3A_463 = vector.shape_cast %get3A_462 : vector<1x16xf32> to vector<16xf32>
        %add3A_464 = arith.addf %get3A_459, %get3A_463 : vector<16xf32>
        %swap3A_465 = arith.index_cast %scan3A_23 : i32 to index
        %swap3A_466 = arith.constant 496 : index
        %swap3A_467 = tpu.vector_load %arg6[%swap3A_465, %swap3A_466] {strides = array<i32>} : memref<32x1024xf32, #tpu.memory_space<vmem>>, vector<1x16xf32>,
        %swap3A_468 = vector.shape_cast %swap3A_467 : vector<1x16xf32> to vector<16xf32>
        %swap3A_469 = vector.shape_cast %add3A_464 : vector<16xf32> to vector<1x16xf32>
        tpu.vector_store %arg6[%swap3A_465, %swap3A_466], %swap3A_469 {strides = array<i32>} : memref<32x1024xf32, #tpu.memory_space<vmem>>, vector<1x16xf32>,
        %get3A_470 = arith.index_cast %scan3A_23 : i32 to index
        %get3A_471 = arith.constant 512 : index
        %get3A_472 = tpu.vector_load %arg6[%get3A_470, %get3A_471] {strides = array<i32>} : memref<32x1024xf32, #tpu.memory_space<vmem>>, vector<1x16xf32>,
        %get3A_473 = vector.shape_cast %get3A_472 : vector<1x16xf32> to vector<16xf32>
        %get3A_474 = arith.index_cast %scan3A_23 : i32 to index
        %get3A_475 = arith.constant 512 : index
        %get3A_476 = tpu.vector_load %arg7[%get3A_474, %get3A_475] {strides = array<i32>} : memref<32x1024xf32, #tpu.memory_space<vmem>>, vector<1x16xf32>,
        %get3A_477 = vector.shape_cast %get3A_476 : vector<1x16xf32> to vector<16xf32>
        %add3A_478 = arith.addf %get3A_473, %get3A_477 : vector<16xf32>
        %swap3A_479 = arith.index_cast %scan3A_23 : i32 to index
        %swap3A_480 = arith.constant 512 : index
        %swap3A_481 = tpu.vector_load %arg6[%swap3A_479, %swap3A_480] {strides = array<i32>} : memref<32x1024xf32, #tpu.memory_space<vmem>>, vector<1x16xf32>,
        %swap3A_482 = vector.shape_cast %swap3A_481 : vector<1x16xf32> to vector<16xf32>
        %swap3A_483 = vector.shape_cast %add3A_478 : vector<16xf32> to vector<1x16xf32>
        tpu.vector_store %arg6[%swap3A_479, %swap3A_480], %swap3A_483 {strides = array<i32>} : memref<32x1024xf32, #tpu.memory_space<vmem>>, vector<1x16xf32>,
        %get3A_484 = arith.index_cast %scan3A_23 : i32 to index
        %get3A_485 = arith.constant 528 : index
        %get3A_486 = tpu.vector_load %arg6[%get3A_484, %get3A_485] {strides = array<i32>} : memref<32x1024xf32, #tpu.memory_space<vmem>>, vector<1x16xf32>,
        %get3A_487 = vector.shape_cast %get3A_486 : vector<1x16xf32> to vector<16xf32>
        %get3A_488 = arith.index_cast %scan3A_23 : i32 to index
        %get3A_489 = arith.constant 528 : index
        %get3A_490 = tpu.vector_load %arg7[%get3A_488, %get3A_489] {strides = array<i32>} : memref<32x1024xf32, #tpu.memory_space<vmem>>, vector<1x16xf32>,
        %get3A_491 = vector.shape_cast %get3A_490 : vector<1x16xf32> to vector<16xf32>
        %add3A_492 = arith.addf %get3A_487, %get3A_491 : vector<16xf32>
        %swap3A_493 = arith.index_cast %scan3A_23 : i32 to index
        %swap3A_494 = arith.constant 528 : index
        %swap3A_495 = tpu.vector_load %arg6[%swap3A_493, %swap3A_494] {strides = array<i32>} : memref<32x1024xf32, #tpu.memory_space<vmem>>, vector<1x16xf32>,
        %swap3A_496 = vector.shape_cast %swap3A_495 : vector<1x16xf32> to vector<16xf32>
        %swap3A_497 = vector.shape_cast %add3A_492 : vector<16xf32> to vector<1x16xf32>
        tpu.vector_store %arg6[%swap3A_493, %swap3A_494], %swap3A_497 {strides = array<i32>} : memref<32x1024xf32, #tpu.memory_space<vmem>>, vector<1x16xf32>,
        %get3A_498 = arith.index_cast %scan3A_23 : i32 to index
        %get3A_499 = arith.constant 544 : index
        %get3A_500 = tpu.vector_load %arg6[%get3A_498, %get3A_499] {strides = array<i32>} : memref<32x1024xf32, #tpu.memory_space<vmem>>, vector<1x16xf32>,
        %get3A_501 = vector.shape_cast %get3A_500 : vector<1x16xf32> to vector<16xf32>
        %get3A_502 = arith.index_cast %scan3A_23 : i32 to index
        %get3A_503 = arith.constant 544 : index
        %get3A_504 = tpu.vector_load %arg7[%get3A_502, %get3A_503] {strides = array<i32>} : memref<32x1024xf32, #tpu.memory_space<vmem>>, vector<1x16xf32>,
        %get3A_505 = vector.shape_cast %get3A_504 : vector<1x16xf32> to vector<16xf32>
        %add3A_506 = arith.addf %get3A_501, %get3A_505 : vector<16xf32>
        %swap3A_507 = arith.index_cast %scan3A_23 : i32 to index
        %swap3A_508 = arith.constant 544 : index
        %swap3A_509 = tpu.vector_load %arg6[%swap3A_507, %swap3A_508] {strides = array<i32>} : memref<32x1024xf32, #tpu.memory_space<vmem>>, vector<1x16xf32>,
        %swap3A_510 = vector.shape_cast %swap3A_509 : vector<1x16xf32> to vector<16xf32>
        %swap3A_511 = vector.shape_cast %add3A_506 : vector<16xf32> to vector<1x16xf32>
        tpu.vector_store %arg6[%swap3A_507, %swap3A_508], %swap3A_511 {strides = array<i32>} : memref<32x1024xf32, #tpu.memory_space<vmem>>, vector<1x16xf32>,
        %get3A_512 = arith.index_cast %scan3A_23 : i32 to index
        %get3A_513 = arith.constant 560 : index
        %get3A_514 = tpu.vector_load %arg6[%get3A_512, %get3A_513] {strides = array<i32>} : memref<32x1024xf32, #tpu.memory_space<vmem>>, vector<1x16xf32>,
        %get3A_515 = vector.shape_cast %get3A_514 : vector<1x16xf32> to vector<16xf32>
        %get3A_516 = arith.index_cast %scan3A_23 : i32 to index
        %get3A_517 = arith.constant 560 : index
        %get3A_518 = tpu.vector_load %arg7[%get3A_516, %get3A_517] {strides = array<i32>} : memref<32x1024xf32, #tpu.memory_space<vmem>>, vector<1x16xf32>,
        %get3A_519 = vector.shape_cast %get3A_518 : vector<1x16xf32> to vector<16xf32>
        %add3A_520 = arith.addf %get3A_515, %get3A_519 : vector<16xf32>
        %swap3A_521 = arith.index_cast %scan3A_23 : i32 to index
        %swap3A_522 = arith.constant 560 : index
        %swap3A_523 = tpu.vector_load %arg6[%swap3A_521, %swap3A_522] {strides = array<i32>} : memref<32x1024xf32, #tpu.memory_space<vmem>>, vector<1x16xf32>,
        %swap3A_524 = vector.shape_cast %swap3A_523 : vector<1x16xf32> to vector<16xf32>
        %swap3A_525 = vector.shape_cast %add3A_520 : vector<16xf32> to vector<1x16xf32>
        tpu.vector_store %arg6[%swap3A_521, %swap3A_522], %swap3A_525 {strides = array<i32>} : memref<32x1024xf32, #tpu.memory_space<vmem>>, vector<1x16xf32>,
        %get3A_526 = arith.index_cast %scan3A_23 : i32 to index
        %get3A_527 = arith.constant 576 : index
        %get3A_528 = tpu.vector_load %arg6[%get3A_526, %get3A_527] {strides = array<i32>} : memref<32x1024xf32, #tpu.memory_space<vmem>>, vector<1x16xf32>,
        %get3A_529 = vector.shape_cast %get3A_528 : vector<1x16xf32> to vector<16xf32>
        %get3A_530 = arith.index_cast %scan3A_23 : i32 to index
        %get3A_531 = arith.constant 576 : index
        %get3A_532 = tpu.vector_load %arg7[%get3A_530, %get3A_531] {strides = array<i32>} : memref<32x1024xf32, #tpu.memory_space<vmem>>, vector<1x16xf32>,
        %get3A_533 = vector.shape_cast %get3A_532 : vector<1x16xf32> to vector<16xf32>
        %add3A_534 = arith.addf %get3A_529, %get3A_533 : vector<16xf32>
        %swap3A_535 = arith.index_cast %scan3A_23 : i32 to index
        %swap3A_536 = arith.constant 576 : index
        %swap3A_537 = tpu.vector_load %arg6[%swap3A_535, %swap3A_536] {strides = array<i32>} : memref<32x1024xf32, #tpu.memory_space<vmem>>, vector<1x16xf32>,
        %swap3A_538 = vector.shape_cast %swap3A_537 : vector<1x16xf32> to vector<16xf32>
        %swap3A_539 = vector.shape_cast %add3A_534 : vector<16xf32> to vector<1x16xf32>
        tpu.vector_store %arg6[%swap3A_535, %swap3A_536], %swap3A_539 {strides = array<i32>} : memref<32x1024xf32, #tpu.memory_space<vmem>>, vector<1x16xf32>,
        %get3A_540 = arith.index_cast %scan3A_23 : i32 to index
        %get3A_541 = arith.constant 592 : index
        %get3A_542 = tpu.vector_load %arg6[%get3A_540, %get3A_541] {strides = array<i32>} : memref<32x1024xf32, #tpu.memory_space<vmem>>, vector<1x16xf32>,
        %get3A_543 = vector.shape_cast %get3A_542 : vector<1x16xf32> to vector<16xf32>
        %get3A_544 = arith.index_cast %scan3A_23 : i32 to index
        %get3A_545 = arith.constant 592 : index
        %get3A_546 = tpu.vector_load %arg7[%get3A_544, %get3A_545] {strides = array<i32>} : memref<32x1024xf32, #tpu.memory_space<vmem>>, vector<1x16xf32>,
        %get3A_547 = vector.shape_cast %get3A_546 : vector<1x16xf32> to vector<16xf32>
        %add3A_548 = arith.addf %get3A_543, %get3A_547 : vector<16xf32>
        %swap3A_549 = arith.index_cast %scan3A_23 : i32 to index
        %swap3A_550 = arith.constant 592 : index
        %swap3A_551 = tpu.vector_load %arg6[%swap3A_549, %swap3A_550] {strides = array<i32>} : memref<32x1024xf32, #tpu.memory_space<vmem>>, vector<1x16xf32>,
        %swap3A_552 = vector.shape_cast %swap3A_551 : vector<1x16xf32> to vector<16xf32>
        %swap3A_553 = vector.shape_cast %add3A_548 : vector<16xf32> to vector<1x16xf32>
        tpu.vector_store %arg6[%swap3A_549, %swap3A_550], %swap3A_553 {strides = array<i32>} : memref<32x1024xf32, #tpu.memory_space<vmem>>, vector<1x16xf32>,
        %get3A_554 = arith.index_cast %scan3A_23 : i32 to index
        %get3A_555 = arith.constant 608 : index
        %get3A_556 = tpu.vector_load %arg6[%get3A_554, %get3A_555] {strides = array<i32>} : memref<32x1024xf32, #tpu.memory_space<vmem>>, vector<1x16xf32>,
        %get3A_557 = vector.shape_cast %get3A_556 : vector<1x16xf32> to vector<16xf32>
        %get3A_558 = arith.index_cast %scan3A_23 : i32 to index
        %get3A_559 = arith.constant 608 : index
        %get3A_560 = tpu.vector_load %arg7[%get3A_558, %get3A_559] {strides = array<i32>} : memref<32x1024xf32, #tpu.memory_space<vmem>>, vector<1x16xf32>,
        %get3A_561 = vector.shape_cast %get3A_560 : vector<1x16xf32> to vector<16xf32>
        %add3A_562 = arith.addf %get3A_557, %get3A_561 : vector<16xf32>
        %swap3A_563 = arith.index_cast %scan3A_23 : i32 to index
        %swap3A_564 = arith.constant 608 : index
        %swap3A_565 = tpu.vector_load %arg6[%swap3A_563, %swap3A_564] {strides = array<i32>} : memref<32x1024xf32, #tpu.memory_space<vmem>>, vector<1x16xf32>,
        %swap3A_566 = vector.shape_cast %swap3A_565 : vector<1x16xf32> to vector<16xf32>
        %swap3A_567 = vector.shape_cast %add3A_562 : vector<16xf32> to vector<1x16xf32>
        tpu.vector_store %arg6[%swap3A_563, %swap3A_564], %swap3A_567 {strides = array<i32>} : memref<32x1024xf32, #tpu.memory_space<vmem>>, vector<1x16xf32>,
        %get3A_568 = arith.index_cast %scan3A_23 : i32 to index
        %get3A_569 = arith.constant 624 : index
        %get3A_570 = tpu.vector_load %arg6[%get3A_568, %get3A_569] {strides = array<i32>} : memref<32x1024xf32, #tpu.memory_space<vmem>>, vector<1x16xf32>,
        %get3A_571 = vector.shape_cast %get3A_570 : vector<1x16xf32> to vector<16xf32>
        %get3A_572 = arith.index_cast %scan3A_23 : i32 to index
        %get3A_573 = arith.constant 624 : index
        %get3A_574 = tpu.vector_load %arg7[%get3A_572, %get3A_573] {strides = array<i32>} : memref<32x1024xf32, #tpu.memory_space<vmem>>, vector<1x16xf32>,
        %get3A_575 = vector.shape_cast %get3A_574 : vector<1x16xf32> to vector<16xf32>
        %add3A_576 = arith.addf %get3A_571, %get3A_575 : vector<16xf32>
        %swap3A_577 = arith.index_cast %scan3A_23 : i32 to index
        %swap3A_578 = arith.constant 624 : index
        %swap3A_579 = tpu.vector_load %arg6[%swap3A_577, %swap3A_578] {strides = array<i32>} : memref<32x1024xf32, #tpu.memory_space<vmem>>, vector<1x16xf32>,
        %swap3A_580 = vector.shape_cast %swap3A_579 : vector<1x16xf32> to vector<16xf32>
        %swap3A_581 = vector.shape_cast %add3A_576 : vector<16xf32> to vector<1x16xf32>
        tpu.vector_store %arg6[%swap3A_577, %swap3A_578], %swap3A_581 {strides = array<i32>} : memref<32x1024xf32, #tpu.memory_space<vmem>>, vector<1x16xf32>,
        %get3A_582 = arith.index_cast %scan3A_23 : i32 to index
        %get3A_583 = arith.constant 640 : index
        %get3A_584 = tpu.vector_load %arg6[%get3A_582, %get3A_583] {strides = array<i32>} : memref<32x1024xf32, #tpu.memory_space<vmem>>, vector<1x16xf32>,
        %get3A_585 = vector.shape_cast %get3A_584 : vector<1x16xf32> to vector<16xf32>
        %get3A_586 = arith.index_cast %scan3A_23 : i32 to index
        %get3A_587 = arith.constant 640 : index
        %get3A_588 = tpu.vector_load %arg7[%get3A_586, %get3A_587] {strides = array<i32>} : memref<32x1024xf32, #tpu.memory_space<vmem>>, vector<1x16xf32>,
        %get3A_589 = vector.shape_cast %get3A_588 : vector<1x16xf32> to vector<16xf32>
        %add3A_590 = arith.addf %get3A_585, %get3A_589 : vector<16xf32>
        %swap3A_591 = arith.index_cast %scan3A_23 : i32 to index
        %swap3A_592 = arith.constant 640 : index
        %swap3A_593 = tpu.vector_load %arg6[%swap3A_591, %swap3A_592] {strides = array<i32>} : memref<32x1024xf32, #tpu.memory_space<vmem>>, vector<1x16xf32>,
        %swap3A_594 = vector.shape_cast %swap3A_593 : vector<1x16xf32> to vector<16xf32>
        %swap3A_595 = vector.shape_cast %add3A_590 : vector<16xf32> to vector<1x16xf32>
        tpu.vector_store %arg6[%swap3A_591, %swap3A_592], %swap3A_595 {strides = array<i32>} : memref<32x1024xf32, #tpu.memory_space<vmem>>, vector<1x16xf32>,
        %get3A_596 = arith.index_cast %scan3A_23 : i32 to index
        %get3A_597 = arith.constant 656 : index
        %get3A_598 = tpu.vector_load %arg6[%get3A_596, %get3A_597] {strides = array<i32>} : memref<32x1024xf32, #tpu.memory_space<vmem>>, vector<1x16xf32>,
        %get3A_599 = vector.shape_cast %get3A_598 : vector<1x16xf32> to vector<16xf32>
        %get3A_600 = arith.index_cast %scan3A_23 : i32 to index
        %get3A_601 = arith.constant 656 : index
        %get3A_602 = tpu.vector_load %arg7[%get3A_600, %get3A_601] {strides = array<i32>} : memref<32x1024xf32, #tpu.memory_space<vmem>>, vector<1x16xf32>,
        %get3A_603 = vector.shape_cast %get3A_602 : vector<1x16xf32> to vector<16xf32>
        %add3A_604 = arith.addf %get3A_599, %get3A_603 : vector<16xf32>
        %swap3A_605 = arith.index_cast %scan3A_23 : i32 to index
        %swap3A_606 = arith.constant 656 : index
        %swap3A_607 = tpu.vector_load %arg6[%swap3A_605, %swap3A_606] {strides = array<i32>} : memref<32x1024xf32, #tpu.memory_space<vmem>>, vector<1x16xf32>,
        %swap3A_608 = vector.shape_cast %swap3A_607 : vector<1x16xf32> to vector<16xf32>
        %swap3A_609 = vector.shape_cast %add3A_604 : vector<16xf32> to vector<1x16xf32>
        tpu.vector_store %arg6[%swap3A_605, %swap3A_606], %swap3A_609 {strides = array<i32>} : memref<32x1024xf32, #tpu.memory_space<vmem>>, vector<1x16xf32>,
        %get3A_610 = arith.index_cast %scan3A_23 : i32 to index
        %get3A_611 = arith.constant 672 : index
        %get3A_612 = tpu.vector_load %arg6[%get3A_610, %get3A_611] {strides = array<i32>} : memref<32x1024xf32, #tpu.memory_space<vmem>>, vector<1x16xf32>,
        %get3A_613 = vector.shape_cast %get3A_612 : vector<1x16xf32> to vector<16xf32>
        %get3A_614 = arith.index_cast %scan3A_23 : i32 to index
        %get3A_615 = arith.constant 672 : index
        %get3A_616 = tpu.vector_load %arg7[%get3A_614, %get3A_615] {strides = array<i32>} : memref<32x1024xf32, #tpu.memory_space<vmem>>, vector<1x16xf32>,
        %get3A_617 = vector.shape_cast %get3A_616 : vector<1x16xf32> to vector<16xf32>
        %add3A_618 = arith.addf %get3A_613, %get3A_617 : vector<16xf32>
        %swap3A_619 = arith.index_cast %scan3A_23 : i32 to index
        %swap3A_620 = arith.constant 672 : index
        %swap3A_621 = tpu.vector_load %arg6[%swap3A_619, %swap3A_620] {strides = array<i32>} : memref<32x1024xf32, #tpu.memory_space<vmem>>, vector<1x16xf32>,
        %swap3A_622 = vector.shape_cast %swap3A_621 : vector<1x16xf32> to vector<16xf32>
        %swap3A_623 = vector.shape_cast %add3A_618 : vector<16xf32> to vector<1x16xf32>
        tpu.vector_store %arg6[%swap3A_619, %swap3A_620], %swap3A_623 {strides = array<i32>} : memref<32x1024xf32, #tpu.memory_space<vmem>>, vector<1x16xf32>,
        %get3A_624 = arith.index_cast %scan3A_23 : i32 to index
        %get3A_625 = arith.constant 688 : index
        %get3A_626 = tpu.vector_load %arg6[%get3A_624, %get3A_625] {strides = array<i32>} : memref<32x1024xf32, #tpu.memory_space<vmem>>, vector<1x16xf32>,
        %get3A_627 = vector.shape_cast %get3A_626 : vector<1x16xf32> to vector<16xf32>
        %get3A_628 = arith.index_cast %scan3A_23 : i32 to index
        %get3A_629 = arith.constant 688 : index
        %get3A_630 = tpu.vector_load %arg7[%get3A_628, %get3A_629] {strides = array<i32>} : memref<32x1024xf32, #tpu.memory_space<vmem>>, vector<1x16xf32>,
        %get3A_631 = vector.shape_cast %get3A_630 : vector<1x16xf32> to vector<16xf32>
        %add3A_632 = arith.addf %get3A_627, %get3A_631 : vector<16xf32>
        %swap3A_633 = arith.index_cast %scan3A_23 : i32 to index
        %swap3A_634 = arith.constant 688 : index
        %swap3A_635 = tpu.vector_load %arg6[%swap3A_633, %swap3A_634] {strides = array<i32>} : memref<32x1024xf32, #tpu.memory_space<vmem>>, vector<1x16xf32>,
        %swap3A_636 = vector.shape_cast %swap3A_635 : vector<1x16xf32> to vector<16xf32>
        %swap3A_637 = vector.shape_cast %add3A_632 : vector<16xf32> to vector<1x16xf32>
        tpu.vector_store %arg6[%swap3A_633, %swap3A_634], %swap3A_637 {strides = array<i32>} : memref<32x1024xf32, #tpu.memory_space<vmem>>, vector<1x16xf32>,
        %get3A_638 = arith.index_cast %scan3A_23 : i32 to index
        %get3A_639 = arith.constant 704 : index
        %get3A_640 = tpu.vector_load %arg6[%get3A_638, %get3A_639] {strides = array<i32>} : memref<32x1024xf32, #tpu.memory_space<vmem>>, vector<1x16xf32>,
        %get3A_641 = vector.shape_cast %get3A_640 : vector<1x16xf32> to vector<16xf32>
        %get3A_642 = arith.index_cast %scan3A_23 : i32 to index
        %get3A_643 = arith.constant 704 : index
        %get3A_644 = tpu.vector_load %arg7[%get3A_642, %get3A_643] {strides = array<i32>} : memref<32x1024xf32, #tpu.memory_space<vmem>>, vector<1x16xf32>,
        %get3A_645 = vector.shape_cast %get3A_644 : vector<1x16xf32> to vector<16xf32>
        %add3A_646 = arith.addf %get3A_641, %get3A_645 : vector<16xf32>
        %swap3A_647 = arith.index_cast %scan3A_23 : i32 to index
        %swap3A_648 = arith.constant 704 : index
        %swap3A_649 = tpu.vector_load %arg6[%swap3A_647, %swap3A_648] {strides = array<i32>} : memref<32x1024xf32, #tpu.memory_space<vmem>>, vector<1x16xf32>,
        %swap3A_650 = vector.shape_cast %swap3A_649 : vector<1x16xf32> to vector<16xf32>
        %swap3A_651 = vector.shape_cast %add3A_646 : vector<16xf32> to vector<1x16xf32>
        tpu.vector_store %arg6[%swap3A_647, %swap3A_648], %swap3A_651 {strides = array<i32>} : memref<32x1024xf32, #tpu.memory_space<vmem>>, vector<1x16xf32>,
        %get3A_652 = arith.index_cast %scan3A_23 : i32 to index
        %get3A_653 = arith.constant 720 : index
        %get3A_654 = tpu.vector_load %arg6[%get3A_652, %get3A_653] {strides = array<i32>} : memref<32x1024xf32, #tpu.memory_space<vmem>>, vector<1x16xf32>,
        %get3A_655 = vector.shape_cast %get3A_654 : vector<1x16xf32> to vector<16xf32>
        %get3A_656 = arith.index_cast %scan3A_23 : i32 to index
        %get3A_657 = arith.constant 720 : index
        %get3A_658 = tpu.vector_load %arg7[%get3A_656, %get3A_657] {strides = array<i32>} : memref<32x1024xf32, #tpu.memory_space<vmem>>, vector<1x16xf32>,
        %get3A_659 = vector.shape_cast %get3A_658 : vector<1x16xf32> to vector<16xf32>
        %add3A_660 = arith.addf %get3A_655, %get3A_659 : vector<16xf32>
        %swap3A_661 = arith.index_cast %scan3A_23 : i32 to index
        %swap3A_662 = arith.constant 720 : index
        %swap3A_663 = tpu.vector_load %arg6[%swap3A_661, %swap3A_662] {strides = array<i32>} : memref<32x1024xf32, #tpu.memory_space<vmem>>, vector<1x16xf32>,
        %swap3A_664 = vector.shape_cast %swap3A_663 : vector<1x16xf32> to vector<16xf32>
        %swap3A_665 = vector.shape_cast %add3A_660 : vector<16xf32> to vector<1x16xf32>
        tpu.vector_store %arg6[%swap3A_661, %swap3A_662], %swap3A_665 {strides = array<i32>} : memref<32x1024xf32, #tpu.memory_space<vmem>>, vector<1x16xf32>,
        %get3A_666 = arith.index_cast %scan3A_23 : i32 to index
        %get3A_667 = arith.constant 736 : index
        %get3A_668 = tpu.vector_load %arg6[%get3A_666, %get3A_667] {strides = array<i32>} : memref<32x1024xf32, #tpu.memory_space<vmem>>, vector<1x16xf32>,
        %get3A_669 = vector.shape_cast %get3A_668 : vector<1x16xf32> to vector<16xf32>
        %get3A_670 = arith.index_cast %scan3A_23 : i32 to index
        %get3A_671 = arith.constant 736 : index
        %get3A_672 = tpu.vector_load %arg7[%get3A_670, %get3A_671] {strides = array<i32>} : memref<32x1024xf32, #tpu.memory_space<vmem>>, vector<1x16xf32>,
        %get3A_673 = vector.shape_cast %get3A_672 : vector<1x16xf32> to vector<16xf32>
        %add3A_674 = arith.addf %get3A_669, %get3A_673 : vector<16xf32>
        %swap3A_675 = arith.index_cast %scan3A_23 : i32 to index
        %swap3A_676 = arith.constant 736 : index
        %swap3A_677 = tpu.vector_load %arg6[%swap3A_675, %swap3A_676] {strides = array<i32>} : memref<32x1024xf32, #tpu.memory_space<vmem>>, vector<1x16xf32>,
        %swap3A_678 = vector.shape_cast %swap3A_677 : vector<1x16xf32> to vector<16xf32>
        %swap3A_679 = vector.shape_cast %add3A_674 : vector<16xf32> to vector<1x16xf32>
        tpu.vector_store %arg6[%swap3A_675, %swap3A_676], %swap3A_679 {strides = array<i32>} : memref<32x1024xf32, #tpu.memory_space<vmem>>, vector<1x16xf32>,
        %get3A_680 = arith.index_cast %scan3A_23 : i32 to index
        %get3A_681 = arith.constant 752 : index
        %get3A_682 = tpu.vector_load %arg6[%get3A_680, %get3A_681] {strides = array<i32>} : memref<32x1024xf32, #tpu.memory_space<vmem>>, vector<1x16xf32>,
        %get3A_683 = vector.shape_cast %get3A_682 : vector<1x16xf32> to vector<16xf32>
        %get3A_684 = arith.index_cast %scan3A_23 : i32 to index
        %get3A_685 = arith.constant 752 : index
        %get3A_686 = tpu.vector_load %arg7[%get3A_684, %get3A_685] {strides = array<i32>} : memref<32x1024xf32, #tpu.memory_space<vmem>>, vector<1x16xf32>,
        %get3A_687 = vector.shape_cast %get3A_686 : vector<1x16xf32> to vector<16xf32>
        %add3A_688 = arith.addf %get3A_683, %get3A_687 : vector<16xf32>
        %swap3A_689 = arith.index_cast %scan3A_23 : i32 to index
        %swap3A_690 = arith.constant 752 : index
        %swap3A_691 = tpu.vector_load %arg6[%swap3A_689, %swap3A_690] {strides = array<i32>} : memref<32x1024xf32, #tpu.memory_space<vmem>>, vector<1x16xf32>,
        %swap3A_692 = vector.shape_cast %swap3A_691 : vector<1x16xf32> to vector<16xf32>
        %swap3A_693 = vector.shape_cast %add3A_688 : vector<16xf32> to vector<1x16xf32>
        tpu.vector_store %arg6[%swap3A_689, %swap3A_690], %swap3A_693 {strides = array<i32>} : memref<32x1024xf32, #tpu.memory_space<vmem>>, vector<1x16xf32>,
        %get3A_694 = arith.index_cast %scan3A_23 : i32 to index
        %get3A_695 = arith.constant 768 : index
        %get3A_696 = tpu.vector_load %arg6[%get3A_694, %get3A_695] {strides = array<i32>} : memref<32x1024xf32, #tpu.memory_space<vmem>>, vector<1x16xf32>,
        %get3A_697 = vector.shape_cast %get3A_696 : vector<1x16xf32> to vector<16xf32>
        %get3A_698 = arith.index_cast %scan3A_23 : i32 to index
        %get3A_699 = arith.constant 768 : index
        %get3A_700 = tpu.vector_load %arg7[%get3A_698, %get3A_699] {strides = array<i32>} : memref<32x1024xf32, #tpu.memory_space<vmem>>, vector<1x16xf32>,
        %get3A_701 = vector.shape_cast %get3A_700 : vector<1x16xf32> to vector<16xf32>
        %add3A_702 = arith.addf %get3A_697, %get3A_701 : vector<16xf32>
        %swap3A_703 = arith.index_cast %scan3A_23 : i32 to index
        %swap3A_704 = arith.constant 768 : index
        %swap3A_705 = tpu.vector_load %arg6[%swap3A_703, %swap3A_704] {strides = array<i32>} : memref<32x1024xf32, #tpu.memory_space<vmem>>, vector<1x16xf32>,
        %swap3A_706 = vector.shape_cast %swap3A_705 : vector<1x16xf32> to vector<16xf32>
        %swap3A_707 = vector.shape_cast %add3A_702 : vector<16xf32> to vector<1x16xf32>
        tpu.vector_store %arg6[%swap3A_703, %swap3A_704], %swap3A_707 {strides = array<i32>} : memref<32x1024xf32, #tpu.memory_space<vmem>>, vector<1x16xf32>,
        %get3A_708 = arith.index_cast %scan3A_23 : i32 to index
        %get3A_709 = arith.constant 784 : index
        %get3A_710 = tpu.vector_load %arg6[%get3A_708, %get3A_709] {strides = array<i32>} : memref<32x1024xf32, #tpu.memory_space<vmem>>, vector<1x16xf32>,
        %get3A_711 = vector.shape_cast %get3A_710 : vector<1x16xf32> to vector<16xf32>
        %get3A_712 = arith.index_cast %scan3A_23 : i32 to index
        %get3A_713 = arith.constant 784 : index
        %get3A_714 = tpu.vector_load %arg7[%get3A_712, %get3A_713] {strides = array<i32>} : memref<32x1024xf32, #tpu.memory_space<vmem>>, vector<1x16xf32>,
        %get3A_715 = vector.shape_cast %get3A_714 : vector<1x16xf32> to vector<16xf32>
        %add3A_716 = arith.addf %get3A_711, %get3A_715 : vector<16xf32>
        %swap3A_717 = arith.index_cast %scan3A_23 : i32 to index
        %swap3A_718 = arith.constant 784 : index
        %swap3A_719 = tpu.vector_load %arg6[%swap3A_717, %swap3A_718] {strides = array<i32>} : memref<32x1024xf32, #tpu.memory_space<vmem>>, vector<1x16xf32>,
        %swap3A_720 = vector.shape_cast %swap3A_719 : vector<1x16xf32> to vector<16xf32>
        %swap3A_721 = vector.shape_cast %add3A_716 : vector<16xf32> to vector<1x16xf32>
        tpu.vector_store %arg6[%swap3A_717, %swap3A_718], %swap3A_721 {strides = array<i32>} : memref<32x1024xf32, #tpu.memory_space<vmem>>, vector<1x16xf32>,
        %get3A_722 = arith.index_cast %scan3A_23 : i32 to index
        %get3A_723 = arith.constant 800 : index
        %get3A_724 = tpu.vector_load %arg6[%get3A_722, %get3A_723] {strides = array<i32>} : memref<32x1024xf32, #tpu.memory_space<vmem>>, vector<1x16xf32>,
        %get3A_725 = vector.shape_cast %get3A_724 : vector<1x16xf32> to vector<16xf32>
        %get3A_726 = arith.index_cast %scan3A_23 : i32 to index
        %get3A_727 = arith.constant 800 : index
        %get3A_728 = tpu.vector_load %arg7[%get3A_726, %get3A_727] {strides = array<i32>} : memref<32x1024xf32, #tpu.memory_space<vmem>>, vector<1x16xf32>,
        %get3A_729 = vector.shape_cast %get3A_728 : vector<1x16xf32> to vector<16xf32>
        %add3A_730 = arith.addf %get3A_725, %get3A_729 : vector<16xf32>
        %swap3A_731 = arith.index_cast %scan3A_23 : i32 to index
        %swap3A_732 = arith.constant 800 : index
        %swap3A_733 = tpu.vector_load %arg6[%swap3A_731, %swap3A_732] {strides = array<i32>} : memref<32x1024xf32, #tpu.memory_space<vmem>>, vector<1x16xf32>,
        %swap3A_734 = vector.shape_cast %swap3A_733 : vector<1x16xf32> to vector<16xf32>
        %swap3A_735 = vector.shape_cast %add3A_730 : vector<16xf32> to vector<1x16xf32>
        tpu.vector_store %arg6[%swap3A_731, %swap3A_732], %swap3A_735 {strides = array<i32>} : memref<32x1024xf32, #tpu.memory_space<vmem>>, vector<1x16xf32>,
        %get3A_736 = arith.index_cast %scan3A_23 : i32 to index
        %get3A_737 = arith.constant 816 : index
        %get3A_738 = tpu.vector_load %arg6[%get3A_736, %get3A_737] {strides = array<i32>} : memref<32x1024xf32, #tpu.memory_space<vmem>>, vector<1x16xf32>,
        %get3A_739 = vector.shape_cast %get3A_738 : vector<1x16xf32> to vector<16xf32>
        %get3A_740 = arith.index_cast %scan3A_23 : i32 to index
        %get3A_741 = arith.constant 816 : index
        %get3A_742 = tpu.vector_load %arg7[%get3A_740, %get3A_741] {strides = array<i32>} : memref<32x1024xf32, #tpu.memory_space<vmem>>, vector<1x16xf32>,
        %get3A_743 = vector.shape_cast %get3A_742 : vector<1x16xf32> to vector<16xf32>
        %add3A_744 = arith.addf %get3A_739, %get3A_743 : vector<16xf32>
        %swap3A_745 = arith.index_cast %scan3A_23 : i32 to index
        %swap3A_746 = arith.constant 816 : index
        %swap3A_747 = tpu.vector_load %arg6[%swap3A_745, %swap3A_746] {strides = array<i32>} : memref<32x1024xf32, #tpu.memory_space<vmem>>, vector<1x16xf32>,
        %swap3A_748 = vector.shape_cast %swap3A_747 : vector<1x16xf32> to vector<16xf32>
        %swap3A_749 = vector.shape_cast %add3A_744 : vector<16xf32> to vector<1x16xf32>
        tpu.vector_store %arg6[%swap3A_745, %swap3A_746], %swap3A_749 {strides = array<i32>} : memref<32x1024xf32, #tpu.memory_space<vmem>>, vector<1x16xf32>,
        %get3A_750 = arith.index_cast %scan3A_23 : i32 to index
        %get3A_751 = arith.constant 832 : index
        %get3A_752 = tpu.vector_load %arg6[%get3A_750, %get3A_751] {strides = array<i32>} : memref<32x1024xf32, #tpu.memory_space<vmem>>, vector<1x16xf32>,
        %get3A_753 = vector.shape_cast %get3A_752 : vector<1x16xf32> to vector<16xf32>
        %get3A_754 = arith.index_cast %scan3A_23 : i32 to index
        %get3A_755 = arith.constant 832 : index
        %get3A_756 = tpu.vector_load %arg7[%get3A_754, %get3A_755] {strides = array<i32>} : memref<32x1024xf32, #tpu.memory_space<vmem>>, vector<1x16xf32>,
        %get3A_757 = vector.shape_cast %get3A_756 : vector<1x16xf32> to vector<16xf32>
        %add3A_758 = arith.addf %get3A_753, %get3A_757 : vector<16xf32>
        %swap3A_759 = arith.index_cast %scan3A_23 : i32 to index
        %swap3A_760 = arith.constant 832 : index
        %swap3A_761 = tpu.vector_load %arg6[%swap3A_759, %swap3A_760] {strides = array<i32>} : memref<32x1024xf32, #tpu.memory_space<vmem>>, vector<1x16xf32>,
        %swap3A_762 = vector.shape_cast %swap3A_761 : vector<1x16xf32> to vector<16xf32>
        %swap3A_763 = vector.shape_cast %add3A_758 : vector<16xf32> to vector<1x16xf32>
        tpu.vector_store %arg6[%swap3A_759, %swap3A_760], %swap3A_763 {strides = array<i32>} : memref<32x1024xf32, #tpu.memory_space<vmem>>, vector<1x16xf32>,
        %get3A_764 = arith.index_cast %scan3A_23 : i32 to index
        %get3A_765 = arith.constant 848 : index
        %get3A_766 = tpu.vector_load %arg6[%get3A_764, %get3A_765] {strides = array<i32>} : memref<32x1024xf32, #tpu.memory_space<vmem>>, vector<1x16xf32>,
        %get3A_767 = vector.shape_cast %get3A_766 : vector<1x16xf32> to vector<16xf32>
        %get3A_768 = arith.index_cast %scan3A_23 : i32 to index
        %get3A_769 = arith.constant 848 : index
        %get3A_770 = tpu.vector_load %arg7[%get3A_768, %get3A_769] {strides = array<i32>} : memref<32x1024xf32, #tpu.memory_space<vmem>>, vector<1x16xf32>,
        %get3A_771 = vector.shape_cast %get3A_770 : vector<1x16xf32> to vector<16xf32>
        %add3A_772 = arith.addf %get3A_767, %get3A_771 : vector<16xf32>
        %swap3A_773 = arith.index_cast %scan3A_23 : i32 to index
        %swap3A_774 = arith.constant 848 : index
        %swap3A_775 = tpu.vector_load %arg6[%swap3A_773, %swap3A_774] {strides = array<i32>} : memref<32x1024xf32, #tpu.memory_space<vmem>>, vector<1x16xf32>,
        %swap3A_776 = vector.shape_cast %swap3A_775 : vector<1x16xf32> to vector<16xf32>
        %swap3A_777 = vector.shape_cast %add3A_772 : vector<16xf32> to vector<1x16xf32>
        tpu.vector_store %arg6[%swap3A_773, %swap3A_774], %swap3A_777 {strides = array<i32>} : memref<32x1024xf32, #tpu.memory_space<vmem>>, vector<1x16xf32>,
        %get3A_778 = arith.index_cast %scan3A_23 : i32 to index
        %get3A_779 = arith.constant 864 : index
        %get3A_780 = tpu.vector_load %arg6[%get3A_778, %get3A_779] {strides = array<i32>} : memref<32x1024xf32, #tpu.memory_space<vmem>>, vector<1x16xf32>,
        %get3A_781 = vector.shape_cast %get3A_780 : vector<1x16xf32> to vector<16xf32>
        %get3A_782 = arith.index_cast %scan3A_23 : i32 to index
        %get3A_783 = arith.constant 864 : index
        %get3A_784 = tpu.vector_load %arg7[%get3A_782, %get3A_783] {strides = array<i32>} : memref<32x1024xf32, #tpu.memory_space<vmem>>, vector<1x16xf32>,
        %get3A_785 = vector.shape_cast %get3A_784 : vector<1x16xf32> to vector<16xf32>
        %add3A_786 = arith.addf %get3A_781, %get3A_785 : vector<16xf32>
        %swap3A_787 = arith.index_cast %scan3A_23 : i32 to index
        %swap3A_788 = arith.constant 864 : index
        %swap3A_789 = tpu.vector_load %arg6[%swap3A_787, %swap3A_788] {strides = array<i32>} : memref<32x1024xf32, #tpu.memory_space<vmem>>, vector<1x16xf32>,
        %swap3A_790 = vector.shape_cast %swap3A_789 : vector<1x16xf32> to vector<16xf32>
        %swap3A_791 = vector.shape_cast %add3A_786 : vector<16xf32> to vector<1x16xf32>
        tpu.vector_store %arg6[%swap3A_787, %swap3A_788], %swap3A_791 {strides = array<i32>} : memref<32x1024xf32, #tpu.memory_space<vmem>>, vector<1x16xf32>,
        %get3A_792 = arith.index_cast %scan3A_23 : i32 to index
        %get3A_793 = arith.constant 880 : index
        %get3A_794 = tpu.vector_load %arg6[%get3A_792, %get3A_793] {strides = array<i32>} : memref<32x1024xf32, #tpu.memory_space<vmem>>, vector<1x16xf32>,
        %get3A_795 = vector.shape_cast %get3A_794 : vector<1x16xf32> to vector<16xf32>
        %get3A_796 = arith.index_cast %scan3A_23 : i32 to index
        %get3A_797 = arith.constant 880 : index
        %get3A_798 = tpu.vector_load %arg7[%get3A_796, %get3A_797] {strides = array<i32>} : memref<32x1024xf32, #tpu.memory_space<vmem>>, vector<1x16xf32>,
        %get3A_799 = vector.shape_cast %get3A_798 : vector<1x16xf32> to vector<16xf32>
        %add3A_800 = arith.addf %get3A_795, %get3A_799 : vector<16xf32>
        %swap3A_801 = arith.index_cast %scan3A_23 : i32 to index
        %swap3A_802 = arith.constant 880 : index
        %swap3A_803 = tpu.vector_load %arg6[%swap3A_801, %swap3A_802] {strides = array<i32>} : memref<32x1024xf32, #tpu.memory_space<vmem>>, vector<1x16xf32>,
        %swap3A_804 = vector.shape_cast %swap3A_803 : vector<1x16xf32> to vector<16xf32>
        %swap3A_805 = vector.shape_cast %add3A_800 : vector<16xf32> to vector<1x16xf32>
        tpu.vector_store %arg6[%swap3A_801, %swap3A_802], %swap3A_805 {strides = array<i32>} : memref<32x1024xf32, #tpu.memory_space<vmem>>, vector<1x16xf32>,
        %get3A_806 = arith.index_cast %scan3A_23 : i32 to index
        %get3A_807 = arith.constant 896 : index
        %get3A_808 = tpu.vector_load %arg6[%get3A_806, %get3A_807] {strides = array<i32>} : memref<32x1024xf32, #tpu.memory_space<vmem>>, vector<1x16xf32>,
        %get3A_809 = vector.shape_cast %get3A_808 : vector<1x16xf32> to vector<16xf32>
        %get3A_810 = arith.index_cast %scan3A_23 : i32 to index
        %get3A_811 = arith.constant 896 : index
        %get3A_812 = tpu.vector_load %arg7[%get3A_810, %get3A_811] {strides = array<i32>} : memref<32x1024xf32, #tpu.memory_space<vmem>>, vector<1x16xf32>,
        %get3A_813 = vector.shape_cast %get3A_812 : vector<1x16xf32> to vector<16xf32>
        %add3A_814 = arith.addf %get3A_809, %get3A_813 : vector<16xf32>
        %swap3A_815 = arith.index_cast %scan3A_23 : i32 to index
        %swap3A_816 = arith.constant 896 : index
        %swap3A_817 = tpu.vector_load %arg6[%swap3A_815, %swap3A_816] {strides = array<i32>} : memref<32x1024xf32, #tpu.memory_space<vmem>>, vector<1x16xf32>,
        %swap3A_818 = vector.shape_cast %swap3A_817 : vector<1x16xf32> to vector<16xf32>
        %swap3A_819 = vector.shape_cast %add3A_814 : vector<16xf32> to vector<1x16xf32>
        tpu.vector_store %arg6[%swap3A_815, %swap3A_816], %swap3A_819 {strides = array<i32>} : memref<32x1024xf32, #tpu.memory_space<vmem>>, vector<1x16xf32>,
        %get3A_820 = arith.index_cast %scan3A_23 : i32 to index
        %get3A_821 = arith.constant 912 : index
        %get3A_822 = tpu.vector_load %arg6[%get3A_820, %get3A_821] {strides = array<i32>} : memref<32x1024xf32, #tpu.memory_space<vmem>>, vector<1x16xf32>,
        %get3A_823 = vector.shape_cast %get3A_822 : vector<1x16xf32> to vector<16xf32>
        %get3A_824 = arith.index_cast %scan3A_23 : i32 to index
        %get3A_825 = arith.constant 912 : index
        %get3A_826 = tpu.vector_load %arg7[%get3A_824, %get3A_825] {strides = array<i32>} : memref<32x1024xf32, #tpu.memory_space<vmem>>, vector<1x16xf32>,
        %get3A_827 = vector.shape_cast %get3A_826 : vector<1x16xf32> to vector<16xf32>
        %add3A_828 = arith.addf %get3A_823, %get3A_827 : vector<16xf32>
        %swap3A_829 = arith.index_cast %scan3A_23 : i32 to index
        %swap3A_830 = arith.constant 912 : index
        %swap3A_831 = tpu.vector_load %arg6[%swap3A_829, %swap3A_830] {strides = array<i32>} : memref<32x1024xf32, #tpu.memory_space<vmem>>, vector<1x16xf32>,
        %swap3A_832 = vector.shape_cast %swap3A_831 : vector<1x16xf32> to vector<16xf32>
        %swap3A_833 = vector.shape_cast %add3A_828 : vector<16xf32> to vector<1x16xf32>
        tpu.vector_store %arg6[%swap3A_829, %swap3A_830], %swap3A_833 {strides = array<i32>} : memref<32x1024xf32, #tpu.memory_space<vmem>>, vector<1x16xf32>,
        %get3A_834 = arith.index_cast %scan3A_23 : i32 to index
        %get3A_835 = arith.constant 928 : index
        %get3A_836 = tpu.vector_load %arg6[%get3A_834, %get3A_835] {strides = array<i32>} : memref<32x1024xf32, #tpu.memory_space<vmem>>, vector<1x16xf32>,
        %get3A_837 = vector.shape_cast %get3A_836 : vector<1x16xf32> to vector<16xf32>
        %get3A_838 = arith.index_cast %scan3A_23 : i32 to index
        %get3A_839 = arith.constant 928 : index
        %get3A_840 = tpu.vector_load %arg7[%get3A_838, %get3A_839] {strides = array<i32>} : memref<32x1024xf32, #tpu.memory_space<vmem>>, vector<1x16xf32>,
        %get3A_841 = vector.shape_cast %get3A_840 : vector<1x16xf32> to vector<16xf32>
        %add3A_842 = arith.addf %get3A_837, %get3A_841 : vector<16xf32>
        %swap3A_843 = arith.index_cast %scan3A_23 : i32 to index
        %swap3A_844 = arith.constant 928 : index
        %swap3A_845 = tpu.vector_load %arg6[%swap3A_843, %swap3A_844] {strides = array<i32>} : memref<32x1024xf32, #tpu.memory_space<vmem>>, vector<1x16xf32>,
        %swap3A_846 = vector.shape_cast %swap3A_845 : vector<1x16xf32> to vector<16xf32>
        %swap3A_847 = vector.shape_cast %add3A_842 : vector<16xf32> to vector<1x16xf32>
        tpu.vector_store %arg6[%swap3A_843, %swap3A_844], %swap3A_847 {strides = array<i32>} : memref<32x1024xf32, #tpu.memory_space<vmem>>, vector<1x16xf32>,
        %get3A_848 = arith.index_cast %scan3A_23 : i32 to index
        %get3A_849 = arith.constant 944 : index
        %get3A_850 = tpu.vector_load %arg6[%get3A_848, %get3A_849] {strides = array<i32>} : memref<32x1024xf32, #tpu.memory_space<vmem>>, vector<1x16xf32>,
        %get3A_851 = vector.shape_cast %get3A_850 : vector<1x16xf32> to vector<16xf32>
        %get3A_852 = arith.index_cast %scan3A_23 : i32 to index
        %get3A_853 = arith.constant 944 : index
        %get3A_854 = tpu.vector_load %arg7[%get3A_852, %get3A_853] {strides = array<i32>} : memref<32x1024xf32, #tpu.memory_space<vmem>>, vector<1x16xf32>,
        %get3A_855 = vector.shape_cast %get3A_854 : vector<1x16xf32> to vector<16xf32>
        %add3A_856 = arith.addf %get3A_851, %get3A_855 : vector<16xf32>
        %swap3A_857 = arith.index_cast %scan3A_23 : i32 to index
        %swap3A_858 = arith.constant 944 : index
        %swap3A_859 = tpu.vector_load %arg6[%swap3A_857, %swap3A_858] {strides = array<i32>} : memref<32x1024xf32, #tpu.memory_space<vmem>>, vector<1x16xf32>,
        %swap3A_860 = vector.shape_cast %swap3A_859 : vector<1x16xf32> to vector<16xf32>
        %swap3A_861 = vector.shape_cast %add3A_856 : vector<16xf32> to vector<1x16xf32>
        tpu.vector_store %arg6[%swap3A_857, %swap3A_858], %swap3A_861 {strides = array<i32>} : memref<32x1024xf32, #tpu.memory_space<vmem>>, vector<1x16xf32>,
        %get3A_862 = arith.index_cast %scan3A_23 : i32 to index
        %get3A_863 = arith.constant 960 : index
        %get3A_864 = tpu.vector_load %arg6[%get3A_862, %get3A_863] {strides = array<i32>} : memref<32x1024xf32, #tpu.memory_space<vmem>>, vector<1x16xf32>,
        %get3A_865 = vector.shape_cast %get3A_864 : vector<1x16xf32> to vector<16xf32>
        %get3A_866 = arith.index_cast %scan3A_23 : i32 to index
        %get3A_867 = arith.constant 960 : index
        %get3A_868 = tpu.vector_load %arg7[%get3A_866, %get3A_867] {strides = array<i32>} : memref<32x1024xf32, #tpu.memory_space<vmem>>, vector<1x16xf32>,
        %get3A_869 = vector.shape_cast %get3A_868 : vector<1x16xf32> to vector<16xf32>
        %add3A_870 = arith.addf %get3A_865, %get3A_869 : vector<16xf32>
        %swap3A_871 = arith.index_cast %scan3A_23 : i32 to index
        %swap3A_872 = arith.constant 960 : index
        %swap3A_873 = tpu.vector_load %arg6[%swap3A_871, %swap3A_872] {strides = array<i32>} : memref<32x1024xf32, #tpu.memory_space<vmem>>, vector<1x16xf32>,
        %swap3A_874 = vector.shape_cast %swap3A_873 : vector<1x16xf32> to vector<16xf32>
        %swap3A_875 = vector.shape_cast %add3A_870 : vector<16xf32> to vector<1x16xf32>
        tpu.vector_store %arg6[%swap3A_871, %swap3A_872], %swap3A_875 {strides = array<i32>} : memref<32x1024xf32, #tpu.memory_space<vmem>>, vector<1x16xf32>,
        %get3A_876 = arith.index_cast %scan3A_23 : i32 to index
        %get3A_877 = arith.constant 976 : index
        %get3A_878 = tpu.vector_load %arg6[%get3A_876, %get3A_877] {strides = array<i32>} : memref<32x1024xf32, #tpu.memory_space<vmem>>, vector<1x16xf32>,
        %get3A_879 = vector.shape_cast %get3A_878 : vector<1x16xf32> to vector<16xf32>
        %get3A_880 = arith.index_cast %scan3A_23 : i32 to index
        %get3A_881 = arith.constant 976 : index
        %get3A_882 = tpu.vector_load %arg7[%get3A_880, %get3A_881] {strides = array<i32>} : memref<32x1024xf32, #tpu.memory_space<vmem>>, vector<1x16xf32>,
        %get3A_883 = vector.shape_cast %get3A_882 : vector<1x16xf32> to vector<16xf32>
        %add3A_884 = arith.addf %get3A_879, %get3A_883 : vector<16xf32>
        %swap3A_885 = arith.index_cast %scan3A_23 : i32 to index
        %swap3A_886 = arith.constant 976 : index
        %swap3A_887 = tpu.vector_load %arg6[%swap3A_885, %swap3A_886] {strides = array<i32>} : memref<32x1024xf32, #tpu.memory_space<vmem>>, vector<1x16xf32>,
        %swap3A_888 = vector.shape_cast %swap3A_887 : vector<1x16xf32> to vector<16xf32>
        %swap3A_889 = vector.shape_cast %add3A_884 : vector<16xf32> to vector<1x16xf32>
        tpu.vector_store %arg6[%swap3A_885, %swap3A_886], %swap3A_889 {strides = array<i32>} : memref<32x1024xf32, #tpu.memory_space<vmem>>, vector<1x16xf32>,
        %get3A_890 = arith.index_cast %scan3A_23 : i32 to index
        %get3A_891 = arith.constant 992 : index
        %get3A_892 = tpu.vector_load %arg6[%get3A_890, %get3A_891] {strides = array<i32>} : memref<32x1024xf32, #tpu.memory_space<vmem>>, vector<1x16xf32>,
        %get3A_893 = vector.shape_cast %get3A_892 : vector<1x16xf32> to vector<16xf32>
        %get3A_894 = arith.index_cast %scan3A_23 : i32 to index
        %get3A_895 = arith.constant 992 : index
        %get3A_896 = tpu.vector_load %arg7[%get3A_894, %get3A_895] {strides = array<i32>} : memref<32x1024xf32, #tpu.memory_space<vmem>>, vector<1x16xf32>,
        %get3A_897 = vector.shape_cast %get3A_896 : vector<1x16xf32> to vector<16xf32>
        %add3A_898 = arith.addf %get3A_893, %get3A_897 : vector<16xf32>
        %swap3A_899 = arith.index_cast %scan3A_23 : i32 to index
        %swap3A_900 = arith.constant 992 : index
        %swap3A_901 = tpu.vector_load %arg6[%swap3A_899, %swap3A_900] {strides = array<i32>} : memref<32x1024xf32, #tpu.memory_space<vmem>>, vector<1x16xf32>,
        %swap3A_902 = vector.shape_cast %swap3A_901 : vector<1x16xf32> to vector<16xf32>
        %swap3A_903 = vector.shape_cast %add3A_898 : vector<16xf32> to vector<1x16xf32>
        tpu.vector_store %arg6[%swap3A_899, %swap3A_900], %swap3A_903 {strides = array<i32>} : memref<32x1024xf32, #tpu.memory_space<vmem>>, vector<1x16xf32>,
        %get3A_904 = arith.index_cast %scan3A_23 : i32 to index
        %get3A_905 = arith.constant 1008 : index
        %get3A_906 = tpu.vector_load %arg6[%get3A_904, %get3A_905] {strides = array<i32>} : memref<32x1024xf32, #tpu.memory_space<vmem>>, vector<1x16xf32>,
        %get3A_907 = vector.shape_cast %get3A_906 : vector<1x16xf32> to vector<16xf32>
        %get3A_908 = arith.index_cast %scan3A_23 : i32 to index
        %get3A_909 = arith.constant 1008 : index
        %get3A_910 = tpu.vector_load %arg7[%get3A_908, %get3A_909] {strides = array<i32>} : memref<32x1024xf32, #tpu.memory_space<vmem>>, vector<1x16xf32>,
        %get3A_911 = vector.shape_cast %get3A_910 : vector<1x16xf32> to vector<16xf32>
        %add3A_912 = arith.addf %get3A_907, %get3A_911 : vector<16xf32>
        %swap3A_913 = arith.index_cast %scan3A_23 : i32 to index
        %swap3A_914 = arith.constant 1008 : index
        %swap3A_915 = tpu.vector_load %arg6[%swap3A_913, %swap3A_914] {strides = array<i32>} : memref<32x1024xf32, #tpu.memory_space<vmem>>, vector<1x16xf32>,
        %swap3A_916 = vector.shape_cast %swap3A_915 : vector<1x16xf32> to vector<16xf32>
        %swap3A_917 = vector.shape_cast %add3A_912 : vector<16xf32> to vector<1x16xf32>
        tpu.vector_store %arg6[%swap3A_913, %swap3A_914], %swap3A_917 {strides = array<i32>} : memref<32x1024xf32, #tpu.memory_space<vmem>>, vector<1x16xf32>,
      }
      %scan3A_22 = arith.constant 32 : i32
      "tpu.region"() ({
        %run_scoped3A = tpu.sem_alloc : memref<!tpu.dma_semaphore, #tpu.memory_space<semaphore_mem>>
        %dma_start3A_23 = arith.constant 0 : i32
        %dma_start3A_24 = tpu.memref_slice %arg5[%add3A_11, %dma_start3A_23] : memref<16384x1024xf32, #tpu.memory_space<hbm>> -> memref<32x1024xf32, #tpu.memory_space<hbm>>
        %dma_start3A_25 = arith.constant 0 : i32
        %dma_start3A_26 = tpu.memref_slice %arg5[%add3A_11, %dma_start3A_25] : memref<16384x1024xf32, #tpu.memory_space<hbm>> -> memref<32x1024xf32, #tpu.memory_space<hbm>>
        tpu.enqueue_dma source(%arg6 : memref<32x1024xf32, #tpu.memory_space<vmem>>) target(%dma_start3A_26 : memref<32x1024xf32, #tpu.memory_space<hbm>>) target_semaphore(%run_scoped3A : memref<!tpu.dma_semaphore, #tpu.memory_space<semaphore_mem>>)
        %dma_wait3A_27 = arith.constant 0 : i32
        %dma_wait3A_28 = tpu.memref_slice %arg5[%add3A_11, %dma_wait3A_27] : memref<16384x1024xf32, #tpu.memory_space<hbm>> -> memref<32x1024xf32, #tpu.memory_space<hbm>>
        %dma_wait3A_29 = arith.constant 0 : i32
        %dma_wait3A_30 = tpu.memref_slice %arg5[%add3A_11, %dma_wait3A_29] : memref<16384x1024xf32, #tpu.memory_space<hbm>> -> memref<32x1024xf32, #tpu.memory_space<hbm>>
        tpu.wait_dma2 semaphore(%run_scoped3A : memref<!tpu.dma_semaphore, #tpu.memory_space<semaphore_mem>>) src(%arg6 : memref<32x1024xf32, #tpu.memory_space<vmem>>) dst(%dma_wait3A_30 : memref<32x1024xf32, #tpu.memory_space<hbm>>)
        tpu.yield
      }) : () -> ()
    }
    %scan3A_5 = arith.constant 16 : i32
    return
  }
}

</mosaic_0001>

<sc_bundles>
// kernel: kernel.3.cloned.1.call-start
scs
__scs_entry_jumppad:
0x0: {  	(pc) =	sbr.rel $0x88, $3  }
0x1: {  	(tag) =	ssettag $0x0;
	lr =	simm.s32 $0x1  }
0x2: {  	[smem:$0x3F9F] =	sst lr;
	_ =	strace $0xD0000000  }
0x3: {  	_ = 	snop  }
0x4: {  	_ = 	snop  }
0x5: {  	_ = 	snop  }
0x6: {  	_ = 	snop  }
0x7: {  	_ = 	snop  }
__scs_overlays_trampoline_lowered:
0x8: {  	[smem:$0x3FAE] =	sst s0  }
0x9: {  	[smem:$0x3FAF] =	sst s1  }
0xa: {  	[smem:$0x3FB0] =	sst s2  }
0xb: {  	[smem:$0x3FB1] =	sst s3  }
0xc: {  	[smem:$0x3FB2] =	sst s4  }
0xd: {  	[smem:$0x3FB3] =	sst s5  }
0xe: {  	[smem:$0x3FB4] =	sst s6  }
0xf: {  	[smem:$0x3FB5] =	sst s7  }
0x10: {  	[smem:$0x3FB6] =	sst s8  }
0x11: {  	[smem:$0x3FB7] =	sst s9;
	s0 =	simm.s32 @!p0 $0x0  }
0x12: {  	s1 =	sld [smem:$0x3F9D];
	s0 =	simm.s32 @p0 $0x1  }
0x13: {  	[smem:$0x3FB8] =	sst s0;
	s0 =	simm.s32 @!p1 $0x0  }
0x14: {  	s2 =	sld [smem:$0x3F9C];
	s0 =	simm.s32 @p1 $0x1  }
0x15: {  	[smem:$0x3FB9] =	sst s0;
	s0 =	simm.s32 @!p2 $0x0  }
0x16: {  	s3 =	sld [smem:$0x3FDB];
	s0 =	simm.s32 @p2 $0x1  }
0x17: {  	s4 =	simm.s32 $0x1BF5;
	[smem:$0x3FBB] =	sst s0  }
0x18: {  	s0 =	sld [smem:$0x3F9E];
	_ =	swait.ge [sflag:s4], $0x0  }
0x19: {  	s7 =	sld [smem:$0x3F9F]  }
0x1a: {  	s8 =	sadd.s32 $0xFFFFE003, lr  }
0x1b: {  	s9 =	sadd.s32 $0xFFFFFEF7, lr;
	s5 =	simm.s32 $0xFFFFFFFF;
	p2 =	slt.u32 s8, $0xFFFFF086  }
0x1c: {  	p1 =	slt.u32 s9, $0xF7A;
	s5 =	simm.s32 @!p2 $0x0  }
0x1d: {  	s5 =	simm.s32 @p1 $0x1;
	p0 =	seq.s32 s7, s2  }
0x1e: {  	s7 =	smul.u32 @!p0 $0xF7A, s2;
	p2 =	seq.s32 @!p0 s5, $0x0  }
0x1f: {  	s9 =	smul.u32 $0xF7A, s1;
	s8 =	simm.s32 @!p0 $0x1BF5;
	p2 =	por !p2, p0  }
0x20: {  	[sflag:s8] =	ssyncset.s32 @!p0 $0xFFFFF086;
	s6 =	sadd.s32 @!p0 s3, s7;
	s7 =	simm.s32 @!p0 $0x108  }
0x21: {  	s3 =	sadd.s32 s3, s9;
	s6 =	sadd.s32 @!p0 $0x88, s6;
	s7 =	simm.s32 @p2 $0x1082  }
0x22: {  	[simem:s7], [sflag:s8] =	dma.local @!p0 [hbm:s6], $0xF7A  }
0x23: {  	s9 =	sor.u32 $0xD0000000, s2;
	s6 =	simm.s32 $0x108;
	_ =	swait.ge @!p0 [sflag:s8], $0x0  }
0x24: {  	s3 =	sadd.s32 $0x88, s3;
	s6 =	simm.s32 @!p1 $0x1082;
	[sflag:s4] =	ssyncset.s32 $0xFFFFF086  }
0x25: {  	[simem:s6], [sflag:s4] =	dma.local [hbm:s3], $0xF7A  }
0x26: {  	[smem:$0x3F9F] =	sst s1;
	(tag) =	ssettag s2;
	_ =	strace s9  }
0x27: {  	s1 =	sld [smem:$0x3FAF]  }
0x28: {  	s2 =	sld [smem:$0x3FB0]  }
0x29: {  	s4 =	sld [smem:$0x3FB2]  }
0x2a: {  	p0 =	seq.s32 s5, $0x0;
	s5 =	sld [smem:$0x3FB3]  }
0x2b: {  	s6 =	sld [smem:$0x3FB4]  }
0x2c: {  	s7 =	sld [smem:$0x3FB5]  }
0x2d: {  	s3 =	simm.s32 $0x108;
	s8 =	sld [smem:$0x3FB6]  }
0x2e: {  	s3 =	simm.s32 @!p0 $0x1082;
	s9 =	sld [smem:$0x3FB7]  }
0x2f: {  	lr =	sadd.s32 s0, s3;
	s0 =	sld [smem:$0x3FAE]  }
0x30: {  	s3 =	sld [smem:$0x3FB1]  }
0x31: {  	[smem:$0x3FBA] =	sst s10  }
0x32: {  	s10 =	sld [smem:$0x3FB8];
	_ =	sdelay $0x3  }
0x33: {  	p0 =	seq.s32 s10, $0x1;
	s10 =	sld [smem:$0x3FBA];
	_ =	sdelay $0x3  }
0x34: {  	[smem:$0x3FBA] =	sst s10  }
0x35: {  	s10 =	sld [smem:$0x3FB9];
	_ =	sdelay $0x3  }
0x36: {  	p1 =	seq.s32 s10, $0x1;
	s10 =	sld [smem:$0x3FBA];
	_ =	sdelay $0x3  }
0x37: {  	[smem:$0x3FBA] =	sst s10  }
0x38: {  	s10 =	sld [smem:$0x3FBB]  }
0x39: {  	_ = 	snop;
	(pc) =	sbr.ind lr, $3  }
0x3a: {  	_ = 	snop  }
0x3b: {  	_ = 	snop  }
0x3c: {  	p2 =	seq.s32 s10, $0x1;
	s10 =	sld [smem:$0x3FBA]  }
0x3d: {  	_ =	shalt  }
0x3e: {  	_ =	shalt  }
0x3f: {  	_ =	shalt  }
0x40: {  	_ =	shalt  }
0x41: {  	_ =	shalt  }
0x42: {  	_ =	shalt  }
0x43: {  	_ =	shalt  }
0x44: {  	_ =	shalt  }
0x45: {  	_ =	shalt  }
0x46: {  	_ =	shalt  }
0x47: {  	_ =	shalt  }
0x48: {  	_ =	shalt  }
0x49: {  	_ =	shalt  }
0x4a: {  	_ =	shalt  }
0x4b: {  	_ =	shalt  }
0x4c: {  	_ =	shalt  }
0x4d: {  	_ =	shalt  }
0x4e: {  	_ =	shalt  }
0x4f: {  	_ =	shalt  }
0x50: {  	_ =	shalt  }
0x51: {  	_ =	shalt  }
0x52: {  	_ =	shalt  }
0x53: {  	_ =	shalt  }
0x54: {  	_ =	shalt  }
0x55: {  	_ =	shalt  }
0x56: {  	_ =	shalt  }
0x57: {  	_ =	shalt  }
0x58: {  	_ =	shalt  }
0x59: {  	_ =	shalt  }
0x5a: {  	_ =	shalt  }
0x5b: {  	_ =	shalt  }
0x5c: {  	_ =	shalt  }
0x5d: {  	_ =	shalt  }
0x5e: {  	_ =	shalt  }
0x5f: {  	_ =	shalt  }
0x60: {  	_ =	shalt  }
0x61: {  	_ =	shalt  }
0x62: {  	_ =	shalt  }
0x63: {  	_ =	shalt  }
0x64: {  	_ =	shalt  }
0x65: {  	_ =	shalt  }
0x66: {  	_ =	shalt  }
0x67: {  	_ =	shalt  }
0x68: {  	_ =	shalt  }
0x69: {  	_ =	shalt  }
0x6a: {  	_ =	shalt  }
0x6b: {  	_ =	shalt  }
0x6c: {  	_ =	shalt  }
0x6d: {  	_ =	shalt  }
0x6e: {  	_ =	shalt  }
0x6f: {  	_ =	shalt  }
0x70: {  	_ =	shalt  }
0x71: {  	_ =	shalt  }
0x72: {  	_ =	shalt  }
0x73: {  	_ =	shalt  }
0x74: {  	_ =	shalt  }
0x75: {  	_ =	shalt  }
0x76: {  	_ =	shalt  }
0x77: {  	_ =	shalt  }
0x78: {  	_ =	shalt  }
0x79: {  	_ =	shalt  }
0x7a: {  	_ =	shalt  }
0x7b: {  	_ =	shalt  }
0x7c: {  	_ =	shalt  }
0x7d: {  	_ =	shalt  }
0x7e: {  	_ =	shalt  }
0x7f: {  	_ =	shalt  }
0x80: {  	_ =	shalt  }
0x81: {  	_ =	shalt  }
0x82: {  	_ =	shalt  }
0x83: {  	_ =	shalt  }
0x84: {  	_ =	shalt  }
0x85: {  	_ =	shalt  }
0x86: {  	_ =	shalt  }
0x87: {  	_ =	shalt  }
.Lfunc_end0:
.L_simem_size_0:
called_computation_lowered:
.L_overlay_start_0:
0x88: {  	s2 =	sld [smem:$0x3FD9]  }
0x89: {  	s3 =	sld [smem:$0x3FFE];
	_ =	sdelay $0x1  }
0x8a: {  	s1 =	srdreg.scid  }
0x8b: {  	s0 =	sand.u32 $0x1, s1  }
0x8c: {  	s17 =	sshll.u32 s0, $0xA;
	s2 =	sadd.s32 s3, s2  }
0x8d: {  	s2 =	sadd.s32 s2, s17  }
0x8e: {  	[smem:$0x3FC6] =	sst s2  }
0x8f: {  	_ = 	snop  }
0x90: {  	s2 =	sld [smem:$0x3FC9]  }
0x91: {  	s18 =	sld [smem:$0x3FC8]  }
0x92: {  	s4 =	sld [smem:$0x3FD0];
	(tm) =	ssettm $0x1  }
0x93: {  	s5 =	sld [smem:$0x3FFB];
	_ =	sdelay $0x3  }
0x94: {  	_ =	strace s5  }
0x95: {  	s5 =	sld [smem:$0x3FFC];
	_ =	sdelay $0x3  }
0x96: {  	_ =	strace s5  }
0x97: {  	s5 =	sld [smem:$0x3FFD];
	_ =	sdelay $0x3  }
0x98: {  	_ =	strace s5  }
0x99: {  	_ =	strace $0x8FFFFFFF  }
0x9a: {  	s19 =	sld [smem:$0x3FDB];
	_ =	sdelay $0x1  }
0x9b: {  	s6 =	simm.s32 $_scs_section_size  }
0x9c: {  	s7 =	simm.s32 $_size__tile_overlayer_lowered;
	s8 =	simm.s32 $_tile_overlayer_lowered  }
0x9d: {  	s22 =	simm.s32 $0x1BFF;
	s21 =	sshll.u32 s8, $0x1;
	s5 =	sadd.s32 s6, s19  }
0x9e: {  	s9 =	simm.s32 $0x0;
	s20 =	sshll.u32 s7, $0x1;
	s7 =	sadd.s32 s21, s5  }
0x9f: {  	[timem:s9], [sflag:s22] =	dma.local [hbm:s7], s20  }
0xa0: {  	_ =	swait.ge [sflag:s22], s20  }
0xa1: {  	s6 =	ssub.s32 $0x0, s20;
	[sflag:s22] =	ssyncset.done $0x0  }
0xa2: {  	[sflag:s22] =	ssyncadd.s32 s6;
	_ =	sdelay $0x1  }
0xa3: {  	s23 =	simm.s32 $0x1B8B  }
0xa4: {  	_ =	swait.ge [sflag:s23], $0x1  }
0xa5: {  	[sflag:s23] =	ssyncset.done $0x0  }
0xa6: {  	s25 =	simm.s32 $0x1B8E;
	s24 =	sld [smem:$0x3FFE];
	[sflag:s23] =	ssyncadd.s32 $0xFFFFFFFF  }
0xa7: {  	s26 =	simm.s32 $execute0_lowered;
	[smem:$0x3FD2] =	sst s25  }
0xa8: {  	s7 =	sshll.u32 s26, $0x1;
	_ =	strace $0x80000046;
	[dreg:$0x1] =	wrdreg $0xFFFFFFFF  }
0xa9: {  	s28 =	simm.s32 $_size_execute0_lowered;
	s5 =	sadd.s32 s5, s7;
	[dreg:$0x0] =	wrdreg $0x0  }
0xaa: {  	s7 =	sshll.u32 s28, $0x1;
	[dreg:$0x2] =	wrdreg s5  }
0xab: {  	[dreg:$0x3] =	wrdreg s7  }
0xac: {  	[dreg:$0x4] =	wrdreg $0xC0  }
0xad: {  	_ =	task [dreg:s9], $0x5FFFF  }
0xae: {  	[dreg:$0x1] =	wrdreg $0xFFFFFFFF  }
0xaf: {  	[dreg:$0x0] =	wrdreg $0x60  }
0xb0: {  	[dreg:$0x2] =	wrdreg s2  }
0xb1: {  	[dreg:$0x3] =	wrdreg s18  }
0xb2: {  	[dreg:$0x4] =	wrdreg s24  }
0xb3: {  	[dreg:$0x5] =	wrdreg s4  }
0xb4: {  	[dreg:$0x6] =	wrdreg $0x9  }
0xb5: {  	_ =	task.clear_ibuf [dreg:s9], $0x7FFFF;
	_ =	strace $0x90000046  }
0xb6: {  	s29 =	simm.s32 $0x9;
	_ =	strace $0x80000048  }
0xb7: {  	_ =	swait.ge [sflag:s29], $0x1  }
0xb8: {  	[sflag:s29] =	ssyncadd.s32 $0xFFFFFFFF  }
0xb9: {  	_ =	strace $0x90000048  }
0xba: {  	_ =	sfence  }
0xbb: {  	s30 =	sld [smem:$0x0];
	_ =	sdelay $0x2  }
0xbc: {  	s31 =	sshll.u32 s1, $0xD;
	s1 =	sshrl.u32 s1, $0x2  }
0xbd: {  	s3 =	sand.u32 $0x4000, s31;
	s1 =	sadd.s32 s1, s30  }
0xbe: {  	s0 =	sor.u32 s3, s0;
	s1 =	sshll.u32 s1, $0x11  }
0xbf: {  	s0 =	sor.u32 s1, s0  }
0xc0: {  	s0 =	sadd.s32 $0x8F2B, s0  }
0xc1: {  	[sflag:s0] =	ssyncadd.remote.s32 $0x1  }
0xc2: {  	_ =	sfence.sel $0xFFFF  }
0xc3: {  	[dreg:$0x0] =	wrdreg $0xFFFFFFFF;
	(pc) =	sbr.abs _section_cstart, $3  }
0xc4: {  	[dreg:$0x1] =	wrdreg $0xFFFFFFFF  }
0xc5: {  	_ =	task.clear_ibuf [dreg:s9], $0x2FFFF;
	_ =	strace $0x9FFFFFFF  }
0xc6: {  	(tm) =	ssettm $0x7FFFFFFF  }
0xc7: {  	_ =	shalt  }
tec
execute0_lowered:
.L_overlay_start_1:
0x0: {  	(tag) =	ssettag $0x1  }
0x1: {  	s2 =	rddreg [dreg:$0x1]  }
0x2: {  	s0 =	rddreg [dreg:$0x2];
	s3 =	simm.s32 $0x0;
	s1 =	srdreg.scid  }
0x3: {  	s5 =	stileid.u32;
	s12 =	simm.s32 $0x2;
	s16 =	simm.s32 $0x9000  }
0x4: {  	s17 =	simm.s32 $0x9800;
	s18 =	simm.s32 $0xA000;
	s19 =	simm.s32 $0xA800  }
0x5: {  	s20 =	simm.s32 $0xB000;
	s21 =	simm.s32 $0xB800;
	s22 =	simm.s32 $0xC000  }
0x6: {  	s23 =	simm.s32 $0xC800;
	s24 =	simm.s32 $0xD000;
	s28 =	simm.s32 $0xE800  }
0x7: {  	s29 =	simm.s32 $0xF000;
	s30 =	simm.s32 $0xF800;
	s31 =	simm.s32 $0x1  }
0x8: {  	[smem:$0x7FF] =	sst s3;
	s1 =	sand.u32 $0x1, s1;
	s5 =	sshll.u32 s5, $0xA  }
0x9: {  	s6 =	sadd.s32 $0x400, s0;
	s8 =	sadd.s32 $0x100, s2;
	s25 =	ssub.s32 $0x2, s1  }
0xa: {  	s9 =	sadd.s32 $0x200, s2;
	s10 =	sadd.s32 $0x300, s2;
	s4 =	sshrl.u32 s25, $0x1  }
0xb: {  	v2 =	vlaneseq.u32;
	_ =	strace $0x80000047;
	s1 =	sshll.u32 s1, $0x9;
	s26 =	ssub.s32 s25, s4  }
0xc: {  	vm0 =	vmmov $0xffff;
	v1 =	vshrl.u32 v2, $0x3;
	s7 =	sor.u32 s1, s5;
	s1 =	simm.s32 $0x0;
	s0 =	smax.u32 s26, $0x1  }
0xd: {  	v0 =	vand.u32 $0x7, v2;
	v2 =	vor.u32 $0x8, v2;
	v1 =	vmul.u32 $0x8, v1;
	s25 =	simm.s32 $0xD800;
	s26 =	simm.s32 $0xE000;
	[dreg:$0x5] =	wrdreg s0  }
.LBB2_1:
0xe: {  	[dreg:$0x6] =	wrdreg s1;
	s5 =	simm.s32 $0x0  }
.LBB2_2:
0xf: {  	s0 =	sshll.u32 s5, $0x5  }
0x10: {  	s1 =	sadd.s32 s7, s0  }
0x11: {  	s4 =	rddreg [dreg:$0x0];
	s11 =	sshll.u32 s1, $0x7  }
0x12: {  	s0 =	simm.s32 $0x0;
	s3 =	sadd.s32 s4, s11  }
0x13: {  	[tilespmem:s0], [sflag:$0x2] =	stream.linear.gather [hbm4b:s3+s0], $0x8000, $0x38;
	[tilespmem:$0x10080] =	vst v63  }
0x14: {  	s1 =	sshrl.u32 s1, $0x3;
	_ =	swait.ge [sflag:s12], $0x8000  }
0x15: {  	s1 =	sand.u32 $0x1FC, s1;
	[sflag:s12] =	ssyncset.done $0x0  }
0x16: {  	s13 =	simm.s32 $0x10000;
	s1 =	sadd.s32 s6, s1;
	[sflag:s12] =	ssyncadd.s32 $0xFFFF8000  }
0x17: {  	[tilespmem:s13], [sflag:$0x2] =	stream.linear.gather [hbm4b:s1+s0], $0x20, $0x38;
	[tilespmem:$0x10080] =	vst v63  }
0x18: {  	_ =	swait.ge [sflag:s12], $0x20  }
0x19: {  	[sflag:s12] =	ssyncset.done $0x0  }
0x1a: {  	[sflag:s12] =	ssyncadd.s32 $0xFFFFFFE0  }
0x1b: {  	v3 =	vld [tilespmem:$0x10000];
	_ =	sdelay $0x4  }
0x1c: {  	v4 =	vshll.u32 v3, $0x3  }
0x1d: {  	v3 =	vand.u32 $0x7, v3;
	v4 =	vand.u32 $0xFFFFFFC0, v4  }
0x1e: {  	v3 =	vor.u32 v3, v4  }
0x1f: {  	v4 =	vperm.xlane v3, v0;
	_ =	sdelay $0x1  }
0x20: {  	v4 =	vadd.s32 v1, v4;
	_ =	sdelay $0x3  }
0x21: {  	s14 =	simm.s32 $0x8000  }
0x22: {  	[tilespmem:s14], [sflag:$0x1] =	stream.indirect_vreg.gather [hbm4b:s2+s0], $0x80, v4, vm0, $0xb8;
	[tilespmem:$0x10080] =	vst v63  }
0x23: {  	s15 =	simm.s32 $0x8800;
	v3 =	vperm.xlane v3, v2  }
0x24: {  	[tilespmem:s15], [sflag:$0x1] =	stream.indirect_vreg.gather [hbm4b:s8+s0], $0x80, v4, vm0, $0xb8;
	[tilespmem:$0x10080] =	vst v63  }
0x25: {  	v3 =	vadd.s32 v1, v3  }
0x26: {  	[tilespmem:s16], [sflag:$0x1] =	stream.indirect_vreg.gather [hbm4b:s9+s0], $0x80, v4, vm0, $0xb8;
	[tilespmem:$0x10080] =	vst v63  }
0x27: {  	_ = 	snop  }
0x28: {  	[tilespmem:s17], [sflag:$0x1] =	stream.indirect_vreg.gather [hbm4b:s10+s0], $0x80, v4, vm0, $0xb8;
	[tilespmem:$0x10080] =	vst v63  }
0x29: {  	_ = 	snop  }
0x2a: {  	[tilespmem:s18], [sflag:$0x1] =	stream.indirect_vreg.gather [hbm4b:s2+s0], $0x80, v3, vm0, $0xb8;
	[tilespmem:$0x10080] =	vst v63  }
0x2b: {  	_ = 	snop  }
0x2c: {  	[tilespmem:s19], [sflag:$0x1] =	stream.indirect_vreg.gather [hbm4b:s8+s0], $0x80, v3, vm0, $0xb8;
	[tilespmem:$0x10080] =	vst v63  }
0x2d: {  	_ = 	snop  }
0x2e: {  	[tilespmem:s20], [sflag:$0x1] =	stream.indirect_vreg.gather [hbm4b:s9+s0], $0x80, v3, vm0, $0xb8;
	[tilespmem:$0x10080] =	vst v63  }
0x2f: {  	_ = 	snop  }
0x30: {  	[tilespmem:s21], [sflag:$0x1] =	stream.indirect_vreg.gather [hbm4b:s10+s0], $0x80, v3, vm0, $0xb8;
	[tilespmem:$0x10080] =	vst v63  }
0x31: {  	v3 =	vld [tilespmem:$0x10010];
	_ =	sdelay $0x4  }
0x32: {  	v63 =	vshll.u32 v3, $0x3  }
0x33: {  	v3 =	vand.u32 $0x7, v3;
	v4 =	vand.u32 $0xFFFFFFC0, v63  }
0x34: {  	v3 =	vor.u32 v3, v4  }
0x35: {  	v4 =	vperm.xlane v3, v0;
	_ =	sdelay $0x1  }
0x36: {  	v4 =	vadd.s32 v1, v4;
	_ =	sdelay $0x4  }
0x37: {  	[tilespmem:s22], [sflag:$0x1] =	stream.indirect_vreg.gather [hbm4b:s2+s0], $0x80, v4, vm0, $0xb8;
	[tilespmem:$0x10080] =	vst v63  }
0x38: {  	v3 =	vperm.xlane v3, v2  }
0x39: {  	[tilespmem:s23], [sflag:$0x1] =	stream.indirect_vreg.gather [hbm4b:s8+s0], $0x80, v4, vm0, $0xb8;
	[tilespmem:$0x10080] =	vst v63  }
0x3a: {  	v3 =	vadd.s32 v1, v3  }
0x3b: {  	[tilespmem:s24], [sflag:$0x1] =	stream.indirect_vreg.gather [hbm4b:s9+s0], $0x80, v4, vm0, $0xb8;
	[tilespmem:$0x10080] =	vst v63  }
0x3c: {  	_ = 	snop  }
0x3d: {  	[tilespmem:s25], [sflag:$0x1] =	stream.indirect_vreg.gather [hbm4b:s10+s0], $0x80, v4, vm0, $0xb8;
	[tilespmem:$0x10080] =	vst v63  }
0x3e: {  	_ = 	snop  }
0x3f: {  	[tilespmem:s26], [sflag:$0x1] =	stream.indirect_vreg.gather [hbm4b:s2+s0], $0x80, v3, vm0, $0xb8;
	[tilespmem:$0x10080] =	vst v63  }
0x40: {  	_ = 	snop  }
0x41: {  	[tilespmem:s28], [sflag:$0x1] =	stream.indirect_vreg.gather [hbm4b:s8+s0], $0x80, v3, vm0, $0xb8;
	[tilespmem:$0x10080] =	vst v63  }
0x42: {  	_ = 	snop  }
0x43: {  	[tilespmem:s29], [sflag:$0x1] =	stream.indirect_vreg.gather [hbm4b:s9+s0], $0x80, v3, vm0, $0xb8;
	[tilespmem:$0x10080] =	vst v63  }
0x44: {  	_ = 	snop  }
0x45: {  	[tilespmem:s30], [sflag:$0x1] =	stream.indirect_vreg.gather [hbm4b:s10+s0], $0x80, v3, vm0, $0xb8;
	[tilespmem:$0x10080] =	vst v63  }
0x46: {  	_ =	swait.ge [sflag:s31], $0x8000  }
0x47: {  	s4 =	simm.s32 $0x0;
	[sflag:s31] =	ssyncset.done $0x0  }
0x48: {  	s3 =	simm.s32 $0x0;
	s1 =	simm.s32 $0xFFFF8000;
	[sflag:s31] =	ssyncadd.s32 $0xFFFF8000  }
.LBB2_3:
0x49: {  	s13 =	sadd.s32 $0x8000, s1  }
0x4a: {  	s14 =	sand.u32 $0x380, s4;
	s13 =	sand.u32 $0x6000, s13  }
0x4b: {  	s13 =	sor.u32 s14, s13  }
0x4c: {  	v3 =	vld [tilespmem:s13+$0x0]  }
0x4d: {  	v4 =	vld [tilespmem:s13+$0x8000]  }
0x4e: {  	v5 =	vld [tilespmem:s13+$0x10]  }
0x4f: {  	v6 =	vld [tilespmem:s13+$0x8010]  }
0x50: {  	v7 =	vld [tilespmem:s13+$0x20]  }
0x51: {  	v8 =	vld [tilespmem:s13+$0x8020]  }
0x52: {  	v9 =	vld [tilespmem:s13+$0x30]  }
0x53: {  	v10 =	vld [tilespmem:s13+$0x8030]  }
0x54: {  	v11 =	vld [tilespmem:s13+$0x40]  }
0x55: {  	v12 =	vld [tilespmem:s13+$0x8040]  }
0x56: {  	v13 =	vld [tilespmem:s13+$0x50]  }
0x57: {  	v14 =	vld [tilespmem:s13+$0x8050]  }
0x58: {  	v15 =	vld [tilespmem:s13+$0x60]  }
0x59: {  	v16 =	vld [tilespmem:s13+$0x8060]  }
0x5a: {  	v17 =	vld [tilespmem:s13+$0x70]  }
0x5b: {  	v18 =	vld [tilespmem:s13+$0x8070]  }
0x5c: {  	v19 =	vld [tilespmem:s13+$0x400]  }
0x5d: {  	v20 =	vld [tilespmem:s13+$0x8400]  }
0x5e: {  	v21 =	vld [tilespmem:s13+$0x410]  }
0x5f: {  	v22 =	vld [tilespmem:s13+$0x8410]  }
0x60: {  	v23 =	vld [tilespmem:s13+$0x420]  }
0x61: {  	v24 =	vld [tilespmem:s13+$0x8420]  }
0x62: {  	v25 =	vld [tilespmem:s13+$0x430]  }
0x63: {  	v26 =	vld [tilespmem:s13+$0x8430]  }
0x64: {  	v27 =	vld [tilespmem:s13+$0x440]  }
0x65: {  	v28 =	vld [tilespmem:s13+$0x8440]  }
0x66: {  	v29 =	vld [tilespmem:s13+$0x450]  }
0x67: {  	v30 =	vld [tilespmem:s13+$0x8450]  }
0x68: {  	v31 =	vld [tilespmem:s13+$0x460]  }
0x69: {  	v32 =	vld [tilespmem:s13+$0x8460]  }
0x6a: {  	v33 =	vld [tilespmem:s13+$0x470]  }
0x6b: {  	v34 =	vld [tilespmem:s13+$0x8470]  }
0x6c: {  	v35 =	vld [tilespmem:s13+$0x800]  }
0x6d: {  	v36 =	vld [tilespmem:s13+$0x8800]  }
0x6e: {  	v37 =	vld [tilespmem:s13+$0x810]  }
0x6f: {  	v38 =	vld [tilespmem:s13+$0x8810]  }
0x70: {  	v39 =	vld [tilespmem:s13+$0x820]  }
0x71: {  	v40 =	vld [tilespmem:s13+$0x8820]  }
0x72: {  	v41 =	vld [tilespmem:s13+$0x830]  }
0x73: {  	v42 =	vld [tilespmem:s13+$0x8830]  }
0x74: {  	v43 =	vld [tilespmem:s13+$0x840]  }
0x75: {  	v44 =	vld [tilespmem:s13+$0x8840]  }
0x76: {  	v45 =	vld [tilespmem:s13+$0x850]  }
0x77: {  	v46 =	vld [tilespmem:s13+$0x8850]  }
0x78: {  	v47 =	vld [tilespmem:s13+$0x860]  }
0x79: {  	v48 =	vld [tilespmem:s13+$0x8860]  }
0x7a: {  	v49 =	vld [tilespmem:s13+$0x870]  }
0x7b: {  	v50 =	vld [tilespmem:s13+$0x8870]  }
0x7c: {  	v51 =	vld [tilespmem:s13+$0xC00]  }
0x7d: {  	v52 =	vld [tilespmem:s13+$0x8C00]  }
0x7e: {  	v53 =	vld [tilespmem:s13+$0xC10]  }
0x7f: {  	v54 =	vld [tilespmem:s13+$0x8C10]  }
0x80: {  	v55 =	vld [tilespmem:s13+$0xC20]  }
0x81: {  	v56 =	vld [tilespmem:s13+$0x8C20]  }
0x82: {  	v57 =	vld [tilespmem:s13+$0xC30]  }
0x83: {  	v58 =	vld [tilespmem:s13+$0x8C30]  }
0x84: {  	v59 =	vld [tilespmem:s13+$0xC40]  }
0x85: {  	v60 =	vld [tilespmem:s13+$0x8C40]  }
0x86: {  	v61 =	vld [tilespmem:s13+$0xC50]  }
0x87: {  	v62 =	vld [tilespmem:s13+$0x8C50]  }
0x88: {  	v63 =	vld [tilespmem:s13+$0xC60]  }
0x89: {  	v3 =	vadd.f32 v4, v3;
	v4 =	vld [tilespmem:s13+$0x8C60]  }
0x8a: {  	v5 =	vadd.f32 v6, v5;
	v6 =	vld [tilespmem:s13+$0xC70]  }
0x8b: {  	v14 =	vadd.f32 v14, v13;
	v13 =	vld [tilespmem:s13+$0x9020];
	[tilespmem:s13+$0x0] =	vst v3;
	v3 =	vadd.f32 v8, v7  }
0x8c: {  	v18 =	vadd.f32 v18, v17;
	v17 =	vld [tilespmem:s13+$0x9040];
	[tilespmem:s13+$0x10] =	vst v5  }
0x8d: {  	v22 =	vadd.f32 v22, v21;
	v21 =	vld [tilespmem:s13+$0x9060];
	[tilespmem:s13+$0x20] =	vst v3;
	v3 =	vadd.f32 v12, v11  }
0x8e: {  	v7 =	vld [tilespmem:s13+$0x8C70];
	[tilespmem:s13+$0x50] =	vst v14  }
0x8f: {  	v8 =	vld [tilespmem:s13+$0x1000];
	[tilespmem:s13+$0x40] =	vst v3;
	v3 =	vadd.f32 v16, v15  }
0x90: {  	v5 =	vadd.f32 v10, v9;
	v9 =	vld [tilespmem:s13+$0x9000];
	[tilespmem:s13+$0x70] =	vst v18  }
0x91: {  	v10 =	vld [tilespmem:s13+$0x1010];
	[tilespmem:s13+$0x60] =	vst v3;
	v3 =	vadd.f32 v20, v19  }
0x92: {  	v26 =	vadd.f32 v26, v25;
	v14 =	vld [tilespmem:s13+$0x1030];
	[tilespmem:s13+$0x410] =	vst v22  }
0x93: {  	v18 =	vld [tilespmem:s13+$0x1050];
	[tilespmem:s13+$0x400] =	vst v3;
	v3 =	vadd.f32 v24, v23  }
0x94: {  	v30 =	vadd.f32 v30, v29;
	[tilespmem:s13+$0x430] =	vst v26;
	v22 =	vld [tilespmem:s13+$0x1070]  }
0x95: {  	v19 =	vld [tilespmem:s13+$0x9050];
	[tilespmem:s13+$0x420] =	vst v3;
	v3 =	vadd.f32 v28, v27  }
0x96: {  	v34 =	vadd.f32 v34, v33;
	[tilespmem:s13+$0x450] =	vst v30;
	v11 =	vld [tilespmem:s13+$0x9010]  }
0x97: {  	v12 =	vld [tilespmem:s13+$0x1020];
	[tilespmem:s13+$0x440] =	vst v3;
	v3 =	vadd.f32 v32, v31  }
0x98: {  	[tilespmem:s13+$0x470] =	vst v34;
	v15 =	vld [tilespmem:s13+$0x9030]  }
0x99: {  	v16 =	vld [tilespmem:s13+$0x1040];
	[tilespmem:s13+$0x460] =	vst v3;
	v3 =	vadd.f32 v36, v35  }
0x9a: {  	[tilespmem:s13+$0x30] =	vst v5;
	v20 =	vld [tilespmem:s13+$0x1060];
	v19 =	vadd.f32 v19, v18  }
0x9b: {  	v24 =	vld [tilespmem:s13+$0x1400];
	[tilespmem:s13+$0x800] =	vst v3;
	v3 =	vadd.f32 v40, v39  }
0x9c: {  	[tilespmem:s13+$0x1050] =	vst v19;
	v36 =	vadd.f32 v38, v37;
	v37 =	vld [tilespmem:s13+$0x9070]  }
0x9d: {  	v38 =	vadd.f32 v42, v41;
	v41 =	vld [tilespmem:s13+$0x1410];
	[tilespmem:s13+$0x820] =	vst v3;
	v3 =	vadd.f32 v44, v43  }
0x9e: {  	v42 =	vld [tilespmem:s13+$0x9410];
	[tilespmem:s13+$0x810] =	vst v36  }
0x9f: {  	v35 =	vld [tilespmem:s13+$0x1810];
	[tilespmem:s13+$0x840] =	vst v3;
	v3 =	vadd.f32 v48, v47  }
0xa0: {  	v39 =	vld [tilespmem:s13+$0x9400];
	[tilespmem:s13+$0x830] =	vst v38;
	v40 =	vadd.f32 v46, v45  }
0xa1: {  	v45 =	vld [tilespmem:s13+$0x9420];
	[tilespmem:s13+$0x860] =	vst v3;
	v3 =	vadd.f32 v52, v51  }
0xa2: {  	v46 =	vadd.f32 v54, v53;
	v53 =	vld [tilespmem:s13+$0x1450];
	[tilespmem:s13+$0x850] =	vst v40  }
0xa3: {  	v54 =	vld [tilespmem:s13+$0x9450];
	[tilespmem:s13+$0xC00] =	vst v3;
	v3 =	vadd.f32 v56, v55  }
0xa4: {  	v36 =	vld [tilespmem:s13+$0x9810];
	v43 =	vadd.f32 v50, v49;
	[tilespmem:s13+$0xC10] =	vst v46  }
0xa5: {  	v38 =	vld [tilespmem:s13+$0x1820];
	[tilespmem:s13+$0xC20] =	vst v3;
	v3 =	vadd.f32 v60, v59  }
0xa6: {  	v44 =	vld [tilespmem:s13+$0x1420];
	v49 =	vadd.f32 v58, v57;
	[tilespmem:s13+$0x870] =	vst v43  }
0xa7: {  	v50 =	vld [tilespmem:s13+$0x1440];
	[tilespmem:s13+$0xC40] =	vst v3;
	v3 =	vadd.f32 v4, v63  }
0xa8: {  	v57 =	vld [tilespmem:s13+$0x9460];
	v58 =	vadd.f32 v11, v10;
	[tilespmem:s13+$0xC30] =	vst v49  }
0xa9: {  	v46 =	vld [tilespmem:s13+$0x9850];
	[tilespmem:s13+$0xC60] =	vst v3;
	v3 =	vadd.f32 v9, v8  }
0xaa: {  	v37 =	vadd.f32 v37, v22;
	v40 =	vadd.f32 v42, v41;
	v41 =	vld [tilespmem:s13+$0x1830];
	[tilespmem:s13+$0x1010] =	vst v58  }
0xab: {  	v42 =	vld [tilespmem:s13+$0x9830];
	[tilespmem:s13+$0x1000] =	vst v3;
	v3 =	vadd.f32 v13, v12  }
0xac: {  	v47 =	vld [tilespmem:s13+$0x1430];
	[tilespmem:s13+$0x1070] =	vst v37  }
0xad: {  	v48 =	vld [tilespmem:s13+$0x9430];
	[tilespmem:s13+$0x1020] =	vst v3;
	v3 =	vadd.f32 v17, v16  }
0xae: {  	v49 =	vld [tilespmem:s13+$0x9860];
	[tilespmem:s13+$0x1410] =	vst v40;
	v52 =	vadd.f32 v62, v61  }
0xaf: {  	v51 =	vld [tilespmem:s13+$0x9440];
	[tilespmem:s13+$0x1040] =	vst v3;
	v3 =	vadd.f32 v21, v20  }
0xb0: {  	v61 =	vadd.f32 v15, v14;
	v62 =	vld [tilespmem:s13+$0x1800];
	[tilespmem:s13+$0xC50] =	vst v52  }
0xb1: {  	v56 =	vld [tilespmem:s13+$0x1460];
	[tilespmem:s13+$0x1060] =	vst v3;
	v3 =	vadd.f32 v39, v24  }
0xb2: {  	v55 =	vadd.f32 v7, v6;
	[tilespmem:s13+$0x1030] =	vst v61;
	v52 =	vld [tilespmem:s13+$0x9870]  }
0xb3: {  	v43 =	vadd.f32 v48, v47;
	v47 =	vld [tilespmem:s13+$0x1860];
	[tilespmem:s13+$0x1400] =	vst v3;
	v3 =	vadd.f32 v45, v44  }
0xb4: {  	[tilespmem:s13+$0xC70] =	vst v55;
	v63 =	vld [tilespmem:s13+$0x9800]  }
0xb5: {  	v59 =	vld [tilespmem:s13+$0x1470];
	[tilespmem:s13+$0x1420] =	vst v3;
	v3 =	vadd.f32 v51, v50  }
0xb6: {  	[tilespmem:s13+$0x1430] =	vst v43;
	v4 =	vadd.f32 v54, v53;
	v39 =	vld [tilespmem:s13+$0x9820]  }
0xb7: {  	v60 =	vld [tilespmem:s13+$0x9470];
	[tilespmem:s13+$0x1440] =	vst v3;
	v3 =	vadd.f32 v57, v56  }
0xb8: {  	v54 =	vadd.f32 v42, v41;
	[tilespmem:s13+$0x1450] =	vst v4;
	v45 =	vld [tilespmem:s13+$0x1850]  }
0xb9: {  	v53 =	vld [tilespmem:s13+$0x9840];
	[tilespmem:s13+$0x1460] =	vst v3;
	v3 =	vadd.f32 v63, v62  }
0xba: {  	[tilespmem:s13+$0x1830] =	vst v54;
	v55 =	vadd.f32 v49, v47;
	v50 =	vld [tilespmem:s13+$0x1870]  }
0xbb: {  	v44 =	vld [tilespmem:s13+$0x1840];
	[tilespmem:s13+$0x1800] =	vst v3;
	v3 =	vadd.f32 v39, v38  }
0xbc: {  	v48 =	vadd.f32 v60, v59;
	[tilespmem:s13+$0x1860] =	vst v55  }
0xbd: {  	[tilespmem:s13+$0x1820] =	vst v3;
	v3 =	vadd.f32 v46, v45  }
0xbe: {  	s15 =	sand.u32 $0x7, s0;
	[tilespmem:s13+$0x1470] =	vst v48;
	v51 =	vadd.f32 v36, v35  }
0xbf: {  	s14 =	sshll.u32 s15, $0x7;
	[tilespmem:s13+$0x1850] =	vst v3;
	v3 =	vadd.f32 v52, v50  }
0xc0: {  	s14 =	sadd.s32 s14, s3;
	[tilespmem:s13+$0x1810] =	vst v51;
	v56 =	vadd.f32 v53, v44  }
0xc1: {  	s15 =	sor.u32 $0x1C00, s14;
	[tilespmem:s13+$0x1870] =	vst v3  }
0xc2: {  	[tilespmem:s13+$0x1840] =	vst v56;
	v3 =	vld [tilespmem:s15+$0x0]  }
0xc3: {  	v4 =	vld [tilespmem:s15+$0x8000];
	_ =	sdelay $0x4  }
0xc4: {  	v3 =	vadd.f32 v4, v3;
	_ =	sdelay $0x1  }
0xc5: {  	[tilespmem:s15+$0x0] =	vst v3;
	s15 =	sor.u32 $0x1C10, s14  }
0xc6: {  	v3 =	vld [tilespmem:s15+$0x0]  }
0xc7: {  	v57 =	vld [tilespmem:s15+$0x8000];
	_ =	sdelay $0x4  }
0xc8: {  	v3 =	vadd.f32 v57, v3;
	_ =	sdelay $0x1  }
0xc9: {  	[tilespmem:s15+$0x0] =	vst v3;
	s15 =	sor.u32 $0x1C20, s14  }
0xca: {  	v3 =	vld [tilespmem:s15+$0x0]  }
0xcb: {  	v58 =	vld [tilespmem:s15+$0x8000];
	_ =	sdelay $0x4  }
0xcc: {  	v3 =	vadd.f32 v58, v3;
	_ =	sdelay $0x1  }
0xcd: {  	[tilespmem:s15+$0x0] =	vst v3;
	s15 =	sor.u32 $0x1C30, s14  }
0xce: {  	v3 =	vld [tilespmem:s15+$0x0]  }
0xcf: {  	v59 =	vld [tilespmem:s15+$0x8000];
	_ =	sdelay $0x4  }
0xd0: {  	v3 =	vadd.f32 v59, v3;
	_ =	sdelay $0x1  }
0xd1: {  	[tilespmem:s15+$0x0] =	vst v3;
	s15 =	sor.u32 $0x1C40, s14  }
0xd2: {  	v3 =	vld [tilespmem:s15+$0x0]  }
0xd3: {  	v60 =	vld [tilespmem:s15+$0x8000];
	_ =	sdelay $0x4  }
0xd4: {  	v3 =	vadd.f32 v60, v3;
	_ =	sdelay $0x1  }
0xd5: {  	[tilespmem:s15+$0x0] =	vst v3;
	s15 =	sor.u32 $0x1C50, s14  }
0xd6: {  	v3 =	vld [tilespmem:s15+$0x0]  }
0xd7: {  	v61 =	vld [tilespmem:s15+$0x8000];
	_ =	sdelay $0x4  }
0xd8: {  	v3 =	vadd.f32 v61, v3;
	_ =	sdelay $0x1  }
0xd9: {  	[tilespmem:s15+$0x0] =	vst v3;
	s15 =	sor.u32 $0x1C60, s14  }
0xda: {  	v3 =	vld [tilespmem:s15+$0x0]  }
0xdb: {  	v62 =	vld [tilespmem:s15+$0x8000];
	_ =	sdelay $0x4  }
0xdc: {  	v3 =	vadd.f32 v62, v3;
	_ =	sdelay $0x1  }
0xdd: {  	[tilespmem:s15+$0x0] =	vst v3;
	s15 =	sor.u32 $0x1C70, s14  }
0xde: {  	v3 =	vld [tilespmem:s15+$0x0]  }
0xdf: {  	v63 =	vld [tilespmem:s15+$0x8000];
	_ =	sdelay $0x1  }
0xe0: {  	p0 =	sne.s32 s4, $0xF80  }
.Ltmp0:
0xe1: {  	_ = 	snop;
	(pc) =	sbr.rel @p0 .LBB2_3-.Ltmp0, $4  }
0xe2: {  	_ = 	snop  }
0xe3: {  	v3 =	vadd.f32 v63, v3  }
0xe4: {  	s0 =	sadd.s32 $0x1, s0  }
0xe5: {  	s1 =	sadd.s32 $0x400, s1;
	s4 =	sadd.s32 $0x80, s4;
	s3 =	sadd.s32 $0x400, s3;
	[tilespmem:s15+$0x0] =	vst v3  }
0xe6: {  	s5 =	sadd.s32 $0x1, s5  }
0xe7: {  	s0 =	rddreg [dreg:$0x3];
	p0 =	sne.s32 s5, $0x10  }
.Ltmp1:
0xe8: {  	s1 =	simm.s32 $0x0;
	s0 =	sadd.s32 s0, s11;
	(pc) =	sbr.rel @p0 .LBB2_2-.Ltmp1, $4  }
0xe9: {  	[hbm4b:s0+s1] =	stream.linear.scatter [tilespmem:s1], [sflag:$0x2], $0x8000, $0x38;
	[tilespmem:$0x10080] =	vst v63  }
0xea: {  	_ =	swait.ge [sflag:s12], $0x8000  }
0xeb: {  	[sflag:s12] =	ssyncset.done $0x0  }
0xec: {  	[sflag:s12] =	ssyncadd.s32 $0xFFFF8000  }
0xed: {  	s1 =	rddreg [dreg:$0x6]  }
0xee: {  	s0 =	rddreg [dreg:$0x5];
	s1 =	sadd.s32 $0x1, s1  }
0xef: {  	p0 =	sne.s32 s1, s0  }
.Ltmp2:
0xf0: {  	_ = 	snop;
	(pc) =	sbr.rel @p0 .LBB2_1-.Ltmp2, $1  }
0xf1: {  	_ =	sdelay $0x3  }
0xf2: {  	_ =	sfence.sel $0x180000  }
0xf3: {  	[bflag:$0x0] =	sbarrier.arrive $0xFFFF  }
0xf4: {  	_ =	strace $0x90000047  }
0xf5: {  	s0 =	stileid.u32;
	[bflag:$0x2] =	sbarrier.arrive $0xFFFF  }
0xf6: {  	p0 =	sne.s32 s0, $0x0;
	s0 =	rddreg [dreg:$0x4]  }
0xf7: {  	s0 =	sadd.s32 @!p0 $0x100000, s0  }
0xf8: {  	[sflag:s0] =	ssyncadd.tile.s32 @!p0 $0x1;
	_ =	shalt  }
.Lfunc_end2:
_tile_overlayer_lowered:
.L_overlay_start_2:
0xf9: {  	(tag) =	ssettag $0x2  }
0xfa: {  	s0 =	rddreg [dreg:$0x0];
	s2 =	stileid.u32  }
0xfb: {  	s1 =	rddreg [dreg:$0x1];
	p0 =	sne.s32 s2, $0x0  }
0xfc: {  	s3 =	rddreg [dreg:$0x2];
	[bflag:$0x3] =	sbarrier.arrive $0xFFFF;
	s2 =	simm.s32 @!p0 $0x1C02  }
0xfd: {  	[timem:s3], [sflag:s2] =	dma.local @!p0 [hbm:s0], s1  }
0xfe: {  	s0 =	simm.s32 @!p0 $0x2  }
0xff: {  	_ =	swait.ge @!p0 [sflag:s0], s1  }
0x100: {  	s1 =	ssub.s32 @!p0 $0x0, s1;
	[sflag:s0] =	ssyncset.done @!p0 $0x0  }
0x101: {  	[sflag:s0] =	ssyncadd.s32 @!p0 s1  }
0x102: {  	[bflag:$0x3] =	sbarrier.arrive $0xFFFF  }
0x103: {  	_ =	shalt  }

</sc_bundles>
